<compile_context>
chip_gen: v7x
topology: tpu7x:2x2x1
jax: 0.10.2.dev20260603
libtpu: 0.0.44.dev20260713+nightly
codegen_flags: <defaults>
</compile_context>

<pallas_src>
import dataclasses
import functools

import jax
import jax.numpy as jnp
from jax import lax
from jax.experimental import pallas as pl
from jax.experimental.pallas import tpu as pltpu
from jax.experimental.pallas import tpu_sc as plsc

DEPTH = 1000
BATCH = 16384

NUM_CORES = 2
NUM_SUBCORES = 16
LANES = 16
NUM_WORKERS = NUM_CORES * NUM_SUBCORES
ROWS_PER_WORKER = BATCH // NUM_WORKERS
CHUNK_ROWS = 32
NUM_CHUNKS = ROWS_PER_WORKER // CHUNK_ROWS
VECS_PER_CHUNK = CHUNK_ROWS // LANES
NBUF = 3
SPLIT = 1
DMA_ROWS = CHUNK_ROWS // SPLIT

_MESH = plsc.VectorSubcoreMesh(core_axis_name="c", subcore_axis_name="s")

_CPARAMS = pltpu.CompilerParams()
for _field, _val in (("needs_layout_passes", False),
                     ("use_tc_tiling_on_sc", True)):
    if _field in pltpu.CompilerParams.__dataclass_fields__:
        _CPARAMS = dataclasses.replace(_CPARAMS, **{_field: _val})


@jax.jit
def _one_hot_sc(x):
    @functools.partial(
        pl.kernel,
        mesh=_MESH,
        compiler_params=_CPARAMS,
        out_type=jax.ShapeDtypeStruct((BATCH, DEPTH), jnp.float32),
        scratch_types=[
            pltpu.VMEM((ROWS_PER_WORKER,), jnp.int32),
        ] + [pltpu.VMEM((CHUNK_ROWS, DEPTH), jnp.float32)] * NBUF
          + [pltpu.SemaphoreType.DMA] * (NBUF * SPLIT),
    )
    def body(x_hbm, out_hbm, idx_v, *bufs_sems):
        bufs = bufs_sems[:NBUF]
        sems = bufs_sems[NBUF:]

        wid = lax.axis_index("s") * NUM_CORES + lax.axis_index("c")
        row_base = wid * ROWS_PER_WORKER

        pltpu.sync_copy(x_hbm.at[pl.ds(row_base, ROWS_PER_WORKER)], idx_v)

        zeros16 = jnp.zeros((LANES,), jnp.float32)
        ones16 = jnp.full((LANES,), 1.0, jnp.float32)
        lane_rows = lax.iota(jnp.int32, LANES)

        def zero_fill(b):
            @pl.loop(0, CHUNK_ROWS)
            def _(r):
                for j in range(DEPTH // LANES):
                    b[r, pl.ds(j * LANES, LANES)] = zeros16
                b[r, pl.ds(DEPTH - LANES, LANES)] = zeros16

        copies = [None] * NBUF
        stale = [None] * NBUF
        for c in range(NUM_CHUNKS):
            nb = c % NBUF
            buf = bufs[nb]
            if copies[nb] is not None:
                for cp in copies[nb]:
                    cp.wait()
                for rows, cols in stale[nb]:
                    plsc.store_scatter(buf, [rows, cols], zeros16)
            elif c < NBUF:
                zero_fill(buf)
            pos_list = []
            for k in range(VECS_PER_CHUNK):
                cols = idx_v[pl.ds(c * CHUNK_ROWS + k * LANES, LANES)]
                rows = lane_rows + (k * LANES)
                plsc.store_scatter(buf, [rows, cols], ones16)
                pos_list.append((rows, cols))
            stale[nb] = pos_list
            chunk_copies = []
            for s in range(SPLIT):
                dst = out_hbm.at[
                    pl.ds(row_base + c * CHUNK_ROWS + s * DMA_ROWS, DMA_ROWS)]
                chunk_copies.append(pltpu.async_copy(
                    buf.at[pl.ds(s * DMA_ROWS, DMA_ROWS)], dst,
                    sems[nb * SPLIT + s]))
            copies[nb] = chunk_copies
        for nb in range(NBUF):
            if copies[nb] is not None:
                for cp in copies[nb]:
                    cp.wait()

    return body(x)


def kernel(X_in, ones):
    del ones
    return _one_hot_sc(X_in.astype(jnp.int32))

# --- scband reference (transcript-rebuilt; emitter-appended) ---
"""Pipeline reference for scband-one-hot-19954418057329 (READ-ONLY COPY).

The authoritative reference and input builder live on the scoring server;
editing this copy changes nothing except your own understanding.
"""

import jax, jax.numpy as jnp
import numpy as np

DEPTH = 1000
BATCH = 16384

def setup_inputs(seed: int = 0) -> dict:
    key = jax.random.key(seed)
    k1, _ = jax.random.split(key)
    X_in = jax.random.randint(k1, (BATCH,), 0, DEPTH, dtype=jnp.int64 if jax.config.jax_enable_x64 else jnp.int32)
    ones = jnp.eye(DEPTH, dtype=jnp.float32)
    return {"X_in": X_in, "ones": ones}

def reference(X_in, ones):
    # Faithful translation of torch's self.ones.index_select(0, X_in)
    return jnp.take(ones, X_in, axis=0)

if __name__ == "__main__":
    import jax
    _d = setup_inputs()
    print(jax.jit(kernel)(*tuple(_d.values())))

</pallas_src>

<mosaic_0001>
#map = affine_map<(d0, d1) -> (0)>
#map1 = affine_map<(d0, d1) -> (0, 0)>
module attributes {stable_mosaic.version = 14 : i64} {
  func.func @body(%arg0: i32, %arg1: i32, %arg2: memref<16384xi32, #tpu.memory_space<hbm>>, %arg3: memref<16384x1000xf32, #tpu.memory_space<hbm>>, %arg4: memref<512xi32, #tpu.memory_space<vmem>>, %arg5: memref<32x1000xf32, #tpu.memory_space<vmem>>, %arg6: memref<32x1000xf32, #tpu.memory_space<vmem>>, %arg7: memref<32x1000xf32, #tpu.memory_space<vmem>>, %arg8: memref<!tpu.dma_semaphore, #tpu.memory_space<semaphore_mem>>, %arg9: memref<!tpu.dma_semaphore, #tpu.memory_space<semaphore_mem>>, %arg10: memref<!tpu.dma_semaphore, #tpu.memory_space<semaphore_mem>>) attributes {dimension_semantics = [#tpu.dimension_semantics<core_parallel>, #tpu.dimension_semantics<subcore_parallel>], iteration_bounds = array<i64: 2, 16>, scalar_prefetch = 0 : i64, scratch_operands = 7 : i64, tpu.core_type = #tpu.core_type<sc_vector_subcore>, window_params = [{transform_indices = #map}, {transform_indices = #map1}]} {
    %mul3A = arith.constant 2 : i32
    %mul3A_0 = arith.muli %arg1, %mul3A : i32
    %add3A = arith.addi %mul3A_0, %arg0 : i32
    %mul3A_1 = arith.constant 512 : i32
    %mul3A_2 = arith.muli %add3A, %mul3A_1 : i32
    "tpu.region"() ({
      %run_scoped3A = tpu.sem_alloc : memref<!tpu.dma_semaphore, #tpu.memory_space<semaphore_mem>>
      %dma_start3A_561 = tpu.memref_slice %arg2[%mul3A_2] : memref<16384xi32, #tpu.memory_space<hbm>> -> memref<512xi32, #tpu.memory_space<hbm>>
      %dma_start3A_562 = tpu.memref_slice %arg2[%mul3A_2] : memref<16384xi32, #tpu.memory_space<hbm>> -> memref<512xi32, #tpu.memory_space<hbm>>
      tpu.enqueue_dma source(%dma_start3A_562 : memref<512xi32, #tpu.memory_space<hbm>>) target(%arg4 : memref<512xi32, #tpu.memory_space<vmem>>) target_semaphore(%run_scoped3A : memref<!tpu.dma_semaphore, #tpu.memory_space<semaphore_mem>>)
      %dma_wait3A_563 = tpu.memref_slice %arg2[%mul3A_2] : memref<16384xi32, #tpu.memory_space<hbm>> -> memref<512xi32, #tpu.memory_space<hbm>>
      %dma_wait3A_564 = tpu.memref_slice %arg2[%mul3A_2] : memref<16384xi32, #tpu.memory_space<hbm>> -> memref<512xi32, #tpu.memory_space<hbm>>
      tpu.wait_dma2 semaphore(%run_scoped3A : memref<!tpu.dma_semaphore, #tpu.memory_space<semaphore_mem>>) src(%dma_wait3A_564 : memref<512xi32, #tpu.memory_space<hbm>>) dst(%arg4 : memref<512xi32, #tpu.memory_space<vmem>>)
      tpu.yield
    }) : () -> ()
    %broadcast_in_dim3A = arith.constant 0.000000e+00 : f32
    %broadcast_in_dim3A_3 = vector.broadcast %broadcast_in_dim3A : f32 to vector<16xf32>
    %broadcast_in_dim3A_4 = arith.constant 1.000000e+00 : f32
    %broadcast_in_dim3A_5 = vector.broadcast %broadcast_in_dim3A_4 : f32 to vector<16xf32>
    %iota3A = tpu.iota {dimensions = array<i32: 0>} : vector<16xi32>
    %scan3A = arith.constant 0 : i32
    %scan3A_6 = arith.constant 32 : i32
    %scan3A_7 = arith.addi %scan3A, %scan3A_6 : i32
    %scan3A_8 = arith.constant 1 : i32
    scf.for %scan3A_561 = %scan3A to %scan3A_7 step %scan3A_8  : i32 {
      %mul3A_562 = arith.constant 1 : i32
      %mul3A_563 = arith.muli %scan3A_561, %mul3A_562 : i32
      %add3A_564 = arith.constant 0 : i32
      %add3A_565 = arith.addi %add3A_564, %mul3A_563 : i32
      %swap3A = arith.index_cast %add3A_565 : i32 to index
      %swap3A_566 = arith.constant 0 : index
      %swap3A_567 = tpu.vector_load %arg5[%swap3A, %swap3A_566] {strides = array<i32>} : memref<32x1000xf32, #tpu.memory_space<vmem>>, vector<16xf32>,
      tpu.vector_store %arg5[%swap3A, %swap3A_566], %broadcast_in_dim3A_3 {strides = array<i32>} : memref<32x1000xf32, #tpu.memory_space<vmem>>, vector<16xf32>,
      %swap3A_568 = arith.index_cast %add3A_565 : i32 to index
      %swap3A_569 = arith.constant 16 : index
      %swap3A_570 = tpu.vector_load %arg5[%swap3A_568, %swap3A_569] {strides = array<i32>} : memref<32x1000xf32, #tpu.memory_space<vmem>>, vector<16xf32>,
      tpu.vector_store %arg5[%swap3A_568, %swap3A_569], %broadcast_in_dim3A_3 {strides = array<i32>} : memref<32x1000xf32, #tpu.memory_space<vmem>>, vector<16xf32>,
      %swap3A_571 = arith.index_cast %add3A_565 : i32 to index
      %swap3A_572 = arith.constant 32 : index
      %swap3A_573 = tpu.vector_load %arg5[%swap3A_571, %swap3A_572] {strides = array<i32>} : memref<32x1000xf32, #tpu.memory_space<vmem>>, vector<16xf32>,
      tpu.vector_store %arg5[%swap3A_571, %swap3A_572], %broadcast_in_dim3A_3 {strides = array<i32>} : memref<32x1000xf32, #tpu.memory_space<vmem>>, vector<16xf32>,
      %swap3A_574 = arith.index_cast %add3A_565 : i32 to index
      %swap3A_575 = arith.constant 48 : index
      %swap3A_576 = tpu.vector_load %arg5[%swap3A_574, %swap3A_575] {strides = array<i32>} : memref<32x1000xf32, #tpu.memory_space<vmem>>, vector<16xf32>,
      tpu.vector_store %arg5[%swap3A_574, %swap3A_575], %broadcast_in_dim3A_3 {strides = array<i32>} : memref<32x1000xf32, #tpu.memory_space<vmem>>, vector<16xf32>,
      %swap3A_577 = arith.index_cast %add3A_565 : i32 to index
      %swap3A_578 = arith.constant 64 : index
      %swap3A_579 = tpu.vector_load %arg5[%swap3A_577, %swap3A_578] {strides = array<i32>} : memref<32x1000xf32, #tpu.memory_space<vmem>>, vector<16xf32>,
      tpu.vector_store %arg5[%swap3A_577, %swap3A_578], %broadcast_in_dim3A_3 {strides = array<i32>} : memref<32x1000xf32, #tpu.memory_space<vmem>>, vector<16xf32>,
      %swap3A_580 = arith.index_cast %add3A_565 : i32 to index
      %swap3A_581 = arith.constant 80 : index
      %swap3A_582 = tpu.vector_load %arg5[%swap3A_580, %swap3A_581] {strides = array<i32>} : memref<32x1000xf32, #tpu.memory_space<vmem>>, vector<16xf32>,
      tpu.vector_store %arg5[%swap3A_580, %swap3A_581], %broadcast_in_dim3A_3 {strides = array<i32>} : memref<32x1000xf32, #tpu.memory_space<vmem>>, vector<16xf32>,
      %swap3A_583 = arith.index_cast %add3A_565 : i32 to index
      %swap3A_584 = arith.constant 96 : index
      %swap3A_585 = tpu.vector_load %arg5[%swap3A_583, %swap3A_584] {strides = array<i32>} : memref<32x1000xf32, #tpu.memory_space<vmem>>, vector<16xf32>,
      tpu.vector_store %arg5[%swap3A_583, %swap3A_584], %broadcast_in_dim3A_3 {strides = array<i32>} : memref<32x1000xf32, #tpu.memory_space<vmem>>, vector<16xf32>,
      %swap3A_586 = arith.index_cast %add3A_565 : i32 to index
      %swap3A_587 = arith.constant 112 : index
      %swap3A_588 = tpu.vector_load %arg5[%swap3A_586, %swap3A_587] {strides = array<i32>} : memref<32x1000xf32, #tpu.memory_space<vmem>>, vector<16xf32>,
      tpu.vector_store %arg5[%swap3A_586, %swap3A_587], %broadcast_in_dim3A_3 {strides = array<i32>} : memref<32x1000xf32, #tpu.memory_space<vmem>>, vector<16xf32>,
      %swap3A_589 = arith.index_cast %add3A_565 : i32 to index
      %swap3A_590 = arith.constant 128 : index
      %swap3A_591 = tpu.vector_load %arg5[%swap3A_589, %swap3A_590] {strides = array<i32>} : memref<32x1000xf32, #tpu.memory_space<vmem>>, vector<16xf32>,
      tpu.vector_store %arg5[%swap3A_589, %swap3A_590], %broadcast_in_dim3A_3 {strides = array<i32>} : memref<32x1000xf32, #tpu.memory_space<vmem>>, vector<16xf32>,
      %swap3A_592 = arith.index_cast %add3A_565 : i32 to index
      %swap3A_593 = arith.constant 144 : index
      %swap3A_594 = tpu.vector_load %arg5[%swap3A_592, %swap3A_593] {strides = array<i32>} : memref<32x1000xf32, #tpu.memory_space<vmem>>, vector<16xf32>,
      tpu.vector_store %arg5[%swap3A_592, %swap3A_593], %broadcast_in_dim3A_3 {strides = array<i32>} : memref<32x1000xf32, #tpu.memory_space<vmem>>, vector<16xf32>,
      %swap3A_595 = arith.index_cast %add3A_565 : i32 to index
      %swap3A_596 = arith.constant 160 : index
      %swap3A_597 = tpu.vector_load %arg5[%swap3A_595, %swap3A_596] {strides = array<i32>} : memref<32x1000xf32, #tpu.memory_space<vmem>>, vector<16xf32>,
      tpu.vector_store %arg5[%swap3A_595, %swap3A_596], %broadcast_in_dim3A_3 {strides = array<i32>} : memref<32x1000xf32, #tpu.memory_space<vmem>>, vector<16xf32>,
      %swap3A_598 = arith.index_cast %add3A_565 : i32 to index
      %swap3A_599 = arith.constant 176 : index
      %swap3A_600 = tpu.vector_load %arg5[%swap3A_598, %swap3A_599] {strides = array<i32>} : memref<32x1000xf32, #tpu.memory_space<vmem>>, vector<16xf32>,
      tpu.vector_store %arg5[%swap3A_598, %swap3A_599], %broadcast_in_dim3A_3 {strides = array<i32>} : memref<32x1000xf32, #tpu.memory_space<vmem>>, vector<16xf32>,
      %swap3A_601 = arith.index_cast %add3A_565 : i32 to index
      %swap3A_602 = arith.constant 192 : index
      %swap3A_603 = tpu.vector_load %arg5[%swap3A_601, %swap3A_602] {strides = array<i32>} : memref<32x1000xf32, #tpu.memory_space<vmem>>, vector<16xf32>,
      tpu.vector_store %arg5[%swap3A_601, %swap3A_602], %broadcast_in_dim3A_3 {strides = array<i32>} : memref<32x1000xf32, #tpu.memory_space<vmem>>, vector<16xf32>,
      %swap3A_604 = arith.index_cast %add3A_565 : i32 to index
      %swap3A_605 = arith.constant 208 : index
      %swap3A_606 = tpu.vector_load %arg5[%swap3A_604, %swap3A_605] {strides = array<i32>} : memref<32x1000xf32, #tpu.memory_space<vmem>>, vector<16xf32>,
      tpu.vector_store %arg5[%swap3A_604, %swap3A_605], %broadcast_in_dim3A_3 {strides = array<i32>} : memref<32x1000xf32, #tpu.memory_space<vmem>>, vector<16xf32>,
      %swap3A_607 = arith.index_cast %add3A_565 : i32 to index
      %swap3A_608 = arith.constant 224 : index
      %swap3A_609 = tpu.vector_load %arg5[%swap3A_607, %swap3A_608] {strides = array<i32>} : memref<32x1000xf32, #tpu.memory_space<vmem>>, vector<16xf32>,
      tpu.vector_store %arg5[%swap3A_607, %swap3A_608], %broadcast_in_dim3A_3 {strides = array<i32>} : memref<32x1000xf32, #tpu.memory_space<vmem>>, vector<16xf32>,
      %swap3A_610 = arith.index_cast %add3A_565 : i32 to index
      %swap3A_611 = arith.constant 240 : index
      %swap3A_612 = tpu.vector_load %arg5[%swap3A_610, %swap3A_611] {strides = array<i32>} : memref<32x1000xf32, #tpu.memory_space<vmem>>, vector<16xf32>,
      tpu.vector_store %arg5[%swap3A_610, %swap3A_611], %broadcast_in_dim3A_3 {strides = array<i32>} : memref<32x1000xf32, #tpu.memory_space<vmem>>, vector<16xf32>,
      %swap3A_613 = arith.index_cast %add3A_565 : i32 to index
      %swap3A_614 = arith.constant 256 : index
      %swap3A_615 = tpu.vector_load %arg5[%swap3A_613, %swap3A_614] {strides = array<i32>} : memref<32x1000xf32, #tpu.memory_space<vmem>>, vector<16xf32>,
      tpu.vector_store %arg5[%swap3A_613, %swap3A_614], %broadcast_in_dim3A_3 {strides = array<i32>} : memref<32x1000xf32, #tpu.memory_space<vmem>>, vector<16xf32>,
      %swap3A_616 = arith.index_cast %add3A_565 : i32 to index
      %swap3A_617 = arith.constant 272 : index
      %swap3A_618 = tpu.vector_load %arg5[%swap3A_616, %swap3A_617] {strides = array<i32>} : memref<32x1000xf32, #tpu.memory_space<vmem>>, vector<16xf32>,
      tpu.vector_store %arg5[%swap3A_616, %swap3A_617], %broadcast_in_dim3A_3 {strides = array<i32>} : memref<32x1000xf32, #tpu.memory_space<vmem>>, vector<16xf32>,
      %swap3A_619 = arith.index_cast %add3A_565 : i32 to index
      %swap3A_620 = arith.constant 288 : index
      %swap3A_621 = tpu.vector_load %arg5[%swap3A_619, %swap3A_620] {strides = array<i32>} : memref<32x1000xf32, #tpu.memory_space<vmem>>, vector<16xf32>,
      tpu.vector_store %arg5[%swap3A_619, %swap3A_620], %broadcast_in_dim3A_3 {strides = array<i32>} : memref<32x1000xf32, #tpu.memory_space<vmem>>, vector<16xf32>,
      %swap3A_622 = arith.index_cast %add3A_565 : i32 to index
      %swap3A_623 = arith.constant 304 : index
      %swap3A_624 = tpu.vector_load %arg5[%swap3A_622, %swap3A_623] {strides = array<i32>} : memref<32x1000xf32, #tpu.memory_space<vmem>>, vector<16xf32>,
      tpu.vector_store %arg5[%swap3A_622, %swap3A_623], %broadcast_in_dim3A_3 {strides = array<i32>} : memref<32x1000xf32, #tpu.memory_space<vmem>>, vector<16xf32>,
      %swap3A_625 = arith.index_cast %add3A_565 : i32 to index
      %swap3A_626 = arith.constant 320 : index
      %swap3A_627 = tpu.vector_load %arg5[%swap3A_625, %swap3A_626] {strides = array<i32>} : memref<32x1000xf32, #tpu.memory_space<vmem>>, vector<16xf32>,
      tpu.vector_store %arg5[%swap3A_625, %swap3A_626], %broadcast_in_dim3A_3 {strides = array<i32>} : memref<32x1000xf32, #tpu.memory_space<vmem>>, vector<16xf32>,
      %swap3A_628 = arith.index_cast %add3A_565 : i32 to index
      %swap3A_629 = arith.constant 336 : index
      %swap3A_630 = tpu.vector_load %arg5[%swap3A_628, %swap3A_629] {strides = array<i32>} : memref<32x1000xf32, #tpu.memory_space<vmem>>, vector<16xf32>,
      tpu.vector_store %arg5[%swap3A_628, %swap3A_629], %broadcast_in_dim3A_3 {strides = array<i32>} : memref<32x1000xf32, #tpu.memory_space<vmem>>, vector<16xf32>,
      %swap3A_631 = arith.index_cast %add3A_565 : i32 to index
      %swap3A_632 = arith.constant 352 : index
      %swap3A_633 = tpu.vector_load %arg5[%swap3A_631, %swap3A_632] {strides = array<i32>} : memref<32x1000xf32, #tpu.memory_space<vmem>>, vector<16xf32>,
      tpu.vector_store %arg5[%swap3A_631, %swap3A_632], %broadcast_in_dim3A_3 {strides = array<i32>} : memref<32x1000xf32, #tpu.memory_space<vmem>>, vector<16xf32>,
      %swap3A_634 = arith.index_cast %add3A_565 : i32 to index
      %swap3A_635 = arith.constant 368 : index
      %swap3A_636 = tpu.vector_load %arg5[%swap3A_634, %swap3A_635] {strides = array<i32>} : memref<32x1000xf32, #tpu.memory_space<vmem>>, vector<16xf32>,
      tpu.vector_store %arg5[%swap3A_634, %swap3A_635], %broadcast_in_dim3A_3 {strides = array<i32>} : memref<32x1000xf32, #tpu.memory_space<vmem>>, vector<16xf32>,
      %swap3A_637 = arith.index_cast %add3A_565 : i32 to index
      %swap3A_638 = arith.constant 384 : index
      %swap3A_639 = tpu.vector_load %arg5[%swap3A_637, %swap3A_638] {strides = array<i32>} : memref<32x1000xf32, #tpu.memory_space<vmem>>, vector<16xf32>,
      tpu.vector_store %arg5[%swap3A_637, %swap3A_638], %broadcast_in_dim3A_3 {strides = array<i32>} : memref<32x1000xf32, #tpu.memory_space<vmem>>, vector<16xf32>,
      %swap3A_640 = arith.index_cast %add3A_565 : i32 to index
      %swap3A_641 = arith.constant 400 : index
      %swap3A_642 = tpu.vector_load %arg5[%swap3A_640, %swap3A_641] {strides = array<i32>} : memref<32x1000xf32, #tpu.memory_space<vmem>>, vector<16xf32>,
      tpu.vector_store %arg5[%swap3A_640, %swap3A_641], %broadcast_in_dim3A_3 {strides = array<i32>} : memref<32x1000xf32, #tpu.memory_space<vmem>>, vector<16xf32>,
      %swap3A_643 = arith.index_cast %add3A_565 : i32 to index
      %swap3A_644 = arith.constant 416 : index
      %swap3A_645 = tpu.vector_load %arg5[%swap3A_643, %swap3A_644] {strides = array<i32>} : memref<32x1000xf32, #tpu.memory_space<vmem>>, vector<16xf32>,
      tpu.vector_store %arg5[%swap3A_643, %swap3A_644], %broadcast_in_dim3A_3 {strides = array<i32>} : memref<32x1000xf32, #tpu.memory_space<vmem>>, vector<16xf32>,
      %swap3A_646 = arith.index_cast %add3A_565 : i32 to index
      %swap3A_647 = arith.constant 432 : index
      %swap3A_648 = tpu.vector_load %arg5[%swap3A_646, %swap3A_647] {strides = array<i32>} : memref<32x1000xf32, #tpu.memory_space<vmem>>, vector<16xf32>,
      tpu.vector_store %arg5[%swap3A_646, %swap3A_647], %broadcast_in_dim3A_3 {strides = array<i32>} : memref<32x1000xf32, #tpu.memory_space<vmem>>, vector<16xf32>,
      %swap3A_649 = arith.index_cast %add3A_565 : i32 to index
      %swap3A_650 = arith.constant 448 : index
      %swap3A_651 = tpu.vector_load %arg5[%swap3A_649, %swap3A_650] {strides = array<i32>} : memref<32x1000xf32, #tpu.memory_space<vmem>>, vector<16xf32>,
      tpu.vector_store %arg5[%swap3A_649, %swap3A_650], %broadcast_in_dim3A_3 {strides = array<i32>} : memref<32x1000xf32, #tpu.memory_space<vmem>>, vector<16xf32>,
      %swap3A_652 = arith.index_cast %add3A_565 : i32 to index
      %swap3A_653 = arith.constant 464 : index
      %swap3A_654 = tpu.vector_load %arg5[%swap3A_652, %swap3A_653] {strides = array<i32>} : memref<32x1000xf32, #tpu.memory_space<vmem>>, vector<16xf32>,
      tpu.vector_store %arg5[%swap3A_652, %swap3A_653], %broadcast_in_dim3A_3 {strides = array<i32>} : memref<32x1000xf32, #tpu.memory_space<vmem>>, vector<16xf32>,
      %swap3A_655 = arith.index_cast %add3A_565 : i32 to index
      %swap3A_656 = arith.constant 480 : index
      %swap3A_657 = tpu.vector_load %arg5[%swap3A_655, %swap3A_656] {strides = array<i32>} : memref<32x1000xf32, #tpu.memory_space<vmem>>, vector<16xf32>,
      tpu.vector_store %arg5[%swap3A_655, %swap3A_656], %broadcast_in_dim3A_3 {strides = array<i32>} : memref<32x1000xf32, #tpu.memory_space<vmem>>, vector<16xf32>,
      %swap3A_658 = arith.index_cast %add3A_565 : i32 to index
      %swap3A_659 = arith.constant 496 : index
      %swap3A_660 = tpu.vector_load %arg5[%swap3A_658, %swap3A_659] {strides = array<i32>} : memref<32x1000xf32, #tpu.memory_space<vmem>>, vector<16xf32>,
      tpu.vector_store %arg5[%swap3A_658, %swap3A_659], %broadcast_in_dim3A_3 {strides = array<i32>} : memref<32x1000xf32, #tpu.memory_space<vmem>>, vector<16xf32>,
      %swap3A_661 = arith.index_cast %add3A_565 : i32 to index
      %swap3A_662 = arith.constant 512 : index
      %swap3A_663 = tpu.vector_load %arg5[%swap3A_661, %swap3A_662] {strides = array<i32>} : memref<32x1000xf32, #tpu.memory_space<vmem>>, vector<16xf32>,
      tpu.vector_store %arg5[%swap3A_661, %swap3A_662], %broadcast_in_dim3A_3 {strides = array<i32>} : memref<32x1000xf32, #tpu.memory_space<vmem>>, vector<16xf32>,
      %swap3A_664 = arith.index_cast %add3A_565 : i32 to index
      %swap3A_665 = arith.constant 528 : index
      %swap3A_666 = tpu.vector_load %arg5[%swap3A_664, %swap3A_665] {strides = array<i32>} : memref<32x1000xf32, #tpu.memory_space<vmem>>, vector<16xf32>,
      tpu.vector_store %arg5[%swap3A_664, %swap3A_665], %broadcast_in_dim3A_3 {strides = array<i32>} : memref<32x1000xf32, #tpu.memory_space<vmem>>, vector<16xf32>,
      %swap3A_667 = arith.index_cast %add3A_565 : i32 to index
      %swap3A_668 = arith.constant 544 : index
      %swap3A_669 = tpu.vector_load %arg5[%swap3A_667, %swap3A_668] {strides = array<i32>} : memref<32x1000xf32, #tpu.memory_space<vmem>>, vector<16xf32>,
      tpu.vector_store %arg5[%swap3A_667, %swap3A_668], %broadcast_in_dim3A_3 {strides = array<i32>} : memref<32x1000xf32, #tpu.memory_space<vmem>>, vector<16xf32>,
      %swap3A_670 = arith.index_cast %add3A_565 : i32 to index
      %swap3A_671 = arith.constant 560 : index
      %swap3A_672 = tpu.vector_load %arg5[%swap3A_670, %swap3A_671] {strides = array<i32>} : memref<32x1000xf32, #tpu.memory_space<vmem>>, vector<16xf32>,
      tpu.vector_store %arg5[%swap3A_670, %swap3A_671], %broadcast_in_dim3A_3 {strides = array<i32>} : memref<32x1000xf32, #tpu.memory_space<vmem>>, vector<16xf32>,
      %swap3A_673 = arith.index_cast %add3A_565 : i32 to index
      %swap3A_674 = arith.constant 576 : index
      %swap3A_675 = tpu.vector_load %arg5[%swap3A_673, %swap3A_674] {strides = array<i32>} : memref<32x1000xf32, #tpu.memory_space<vmem>>, vector<16xf32>,
      tpu.vector_store %arg5[%swap3A_673, %swap3A_674], %broadcast_in_dim3A_3 {strides = array<i32>} : memref<32x1000xf32, #tpu.memory_space<vmem>>, vector<16xf32>,
      %swap3A_676 = arith.index_cast %add3A_565 : i32 to index
      %swap3A_677 = arith.constant 592 : index
      %swap3A_678 = tpu.vector_load %arg5[%swap3A_676, %swap3A_677] {strides = array<i32>} : memref<32x1000xf32, #tpu.memory_space<vmem>>, vector<16xf32>,
      tpu.vector_store %arg5[%swap3A_676, %swap3A_677], %broadcast_in_dim3A_3 {strides = array<i32>} : memref<32x1000xf32, #tpu.memory_space<vmem>>, vector<16xf32>,
      %swap3A_679 = arith.index_cast %add3A_565 : i32 to index
      %swap3A_680 = arith.constant 608 : index
      %swap3A_681 = tpu.vector_load %arg5[%swap3A_679, %swap3A_680] {strides = array<i32>} : memref<32x1000xf32, #tpu.memory_space<vmem>>, vector<16xf32>,
      tpu.vector_store %arg5[%swap3A_679, %swap3A_680], %broadcast_in_dim3A_3 {strides = array<i32>} : memref<32x1000xf32, #tpu.memory_space<vmem>>, vector<16xf32>,
      %swap3A_682 = arith.index_cast %add3A_565 : i32 to index
      %swap3A_683 = arith.constant 624 : index
      %swap3A_684 = tpu.vector_load %arg5[%swap3A_682, %swap3A_683] {strides = array<i32>} : memref<32x1000xf32, #tpu.memory_space<vmem>>, vector<16xf32>,
      tpu.vector_store %arg5[%swap3A_682, %swap3A_683], %broadcast_in_dim3A_3 {strides = array<i32>} : memref<32x1000xf32, #tpu.memory_space<vmem>>, vector<16xf32>,
      %swap3A_685 = arith.index_cast %add3A_565 : i32 to index
      %swap3A_686 = arith.constant 640 : index
      %swap3A_687 = tpu.vector_load %arg5[%swap3A_685, %swap3A_686] {strides = array<i32>} : memref<32x1000xf32, #tpu.memory_space<vmem>>, vector<16xf32>,
      tpu.vector_store %arg5[%swap3A_685, %swap3A_686], %broadcast_in_dim3A_3 {strides = array<i32>} : memref<32x1000xf32, #tpu.memory_space<vmem>>, vector<16xf32>,
      %swap3A_688 = arith.index_cast %add3A_565 : i32 to index
      %swap3A_689 = arith.constant 656 : index
      %swap3A_690 = tpu.vector_load %arg5[%swap3A_688, %swap3A_689] {strides = array<i32>} : memref<32x1000xf32, #tpu.memory_space<vmem>>, vector<16xf32>,
      tpu.vector_store %arg5[%swap3A_688, %swap3A_689], %broadcast_in_dim3A_3 {strides = array<i32>} : memref<32x1000xf32, #tpu.memory_space<vmem>>, vector<16xf32>,
      %swap3A_691 = arith.index_cast %add3A_565 : i32 to index
      %swap3A_692 = arith.constant 672 : index
      %swap3A_693 = tpu.vector_load %arg5[%swap3A_691, %swap3A_692] {strides = array<i32>} : memref<32x1000xf32, #tpu.memory_space<vmem>>, vector<16xf32>,
      tpu.vector_store %arg5[%swap3A_691, %swap3A_692], %broadcast_in_dim3A_3 {strides = array<i32>} : memref<32x1000xf32, #tpu.memory_space<vmem>>, vector<16xf32>,
      %swap3A_694 = arith.index_cast %add3A_565 : i32 to index
      %swap3A_695 = arith.constant 688 : index
      %swap3A_696 = tpu.vector_load %arg5[%swap3A_694, %swap3A_695] {strides = array<i32>} : memref<32x1000xf32, #tpu.memory_space<vmem>>, vector<16xf32>,
      tpu.vector_store %arg5[%swap3A_694, %swap3A_695], %broadcast_in_dim3A_3 {strides = array<i32>} : memref<32x1000xf32, #tpu.memory_space<vmem>>, vector<16xf32>,
      %swap3A_697 = arith.index_cast %add3A_565 : i32 to index
      %swap3A_698 = arith.constant 704 : index
      %swap3A_699 = tpu.vector_load %arg5[%swap3A_697, %swap3A_698] {strides = array<i32>} : memref<32x1000xf32, #tpu.memory_space<vmem>>, vector<16xf32>,
      tpu.vector_store %arg5[%swap3A_697, %swap3A_698], %broadcast_in_dim3A_3 {strides = array<i32>} : memref<32x1000xf32, #tpu.memory_space<vmem>>, vector<16xf32>,
      %swap3A_700 = arith.index_cast %add3A_565 : i32 to index
      %swap3A_701 = arith.constant 720 : index
      %swap3A_702 = tpu.vector_load %arg5[%swap3A_700, %swap3A_701] {strides = array<i32>} : memref<32x1000xf32, #tpu.memory_space<vmem>>, vector<16xf32>,
      tpu.vector_store %arg5[%swap3A_700, %swap3A_701], %broadcast_in_dim3A_3 {strides = array<i32>} : memref<32x1000xf32, #tpu.memory_space<vmem>>, vector<16xf32>,
      %swap3A_703 = arith.index_cast %add3A_565 : i32 to index
      %swap3A_704 = arith.constant 736 : index
      %swap3A_705 = tpu.vector_load %arg5[%swap3A_703, %swap3A_704] {strides = array<i32>} : memref<32x1000xf32, #tpu.memory_space<vmem>>, vector<16xf32>,
      tpu.vector_store %arg5[%swap3A_703, %swap3A_704], %broadcast_in_dim3A_3 {strides = array<i32>} : memref<32x1000xf32, #tpu.memory_space<vmem>>, vector<16xf32>,
      %swap3A_706 = arith.index_cast %add3A_565 : i32 to index
      %swap3A_707 = arith.constant 752 : index
      %swap3A_708 = tpu.vector_load %arg5[%swap3A_706, %swap3A_707] {strides = array<i32>} : memref<32x1000xf32, #tpu.memory_space<vmem>>, vector<16xf32>,
      tpu.vector_store %arg5[%swap3A_706, %swap3A_707], %broadcast_in_dim3A_3 {strides = array<i32>} : memref<32x1000xf32, #tpu.memory_space<vmem>>, vector<16xf32>,
      %swap3A_709 = arith.index_cast %add3A_565 : i32 to index
      %swap3A_710 = arith.constant 768 : index
      %swap3A_711 = tpu.vector_load %arg5[%swap3A_709, %swap3A_710] {strides = array<i32>} : memref<32x1000xf32, #tpu.memory_space<vmem>>, vector<16xf32>,
      tpu.vector_store %arg5[%swap3A_709, %swap3A_710], %broadcast_in_dim3A_3 {strides = array<i32>} : memref<32x1000xf32, #tpu.memory_space<vmem>>, vector<16xf32>,
      %swap3A_712 = arith.index_cast %add3A_565 : i32 to index
      %swap3A_713 = arith.constant 784 : index
      %swap3A_714 = tpu.vector_load %arg5[%swap3A_712, %swap3A_713] {strides = array<i32>} : memref<32x1000xf32, #tpu.memory_space<vmem>>, vector<16xf32>,
      tpu.vector_store %arg5[%swap3A_712, %swap3A_713], %broadcast_in_dim3A_3 {strides = array<i32>} : memref<32x1000xf32, #tpu.memory_space<vmem>>, vector<16xf32>,
      %swap3A_715 = arith.index_cast %add3A_565 : i32 to index
      %swap3A_716 = arith.constant 800 : index
      %swap3A_717 = tpu.vector_load %arg5[%swap3A_715, %swap3A_716] {strides = array<i32>} : memref<32x1000xf32, #tpu.memory_space<vmem>>, vector<16xf32>,
      tpu.vector_store %arg5[%swap3A_715, %swap3A_716], %broadcast_in_dim3A_3 {strides = array<i32>} : memref<32x1000xf32, #tpu.memory_space<vmem>>, vector<16xf32>,
      %swap3A_718 = arith.index_cast %add3A_565 : i32 to index
      %swap3A_719 = arith.constant 816 : index
      %swap3A_720 = tpu.vector_load %arg5[%swap3A_718, %swap3A_719] {strides = array<i32>} : memref<32x1000xf32, #tpu.memory_space<vmem>>, vector<16xf32>,
      tpu.vector_store %arg5[%swap3A_718, %swap3A_719], %broadcast_in_dim3A_3 {strides = array<i32>} : memref<32x1000xf32, #tpu.memory_space<vmem>>, vector<16xf32>,
      %swap3A_721 = arith.index_cast %add3A_565 : i32 to index
      %swap3A_722 = arith.constant 832 : index
      %swap3A_723 = tpu.vector_load %arg5[%swap3A_721, %swap3A_722] {strides = array<i32>} : memref<32x1000xf32, #tpu.memory_space<vmem>>, vector<16xf32>,
      tpu.vector_store %arg5[%swap3A_721, %swap3A_722], %broadcast_in_dim3A_3 {strides = array<i32>} : memref<32x1000xf32, #tpu.memory_space<vmem>>, vector<16xf32>,
      %swap3A_724 = arith.index_cast %add3A_565 : i32 to index
      %swap3A_725 = arith.constant 848 : index
      %swap3A_726 = tpu.vector_load %arg5[%swap3A_724, %swap3A_725] {strides = array<i32>} : memref<32x1000xf32, #tpu.memory_space<vmem>>, vector<16xf32>,
      tpu.vector_store %arg5[%swap3A_724, %swap3A_725], %broadcast_in_dim3A_3 {strides = array<i32>} : memref<32x1000xf32, #tpu.memory_space<vmem>>, vector<16xf32>,
      %swap3A_727 = arith.index_cast %add3A_565 : i32 to index
      %swap3A_728 = arith.constant 864 : index
      %swap3A_729 = tpu.vector_load %arg5[%swap3A_727, %swap3A_728] {strides = array<i32>} : memref<32x1000xf32, #tpu.memory_space<vmem>>, vector<16xf32>,
      tpu.vector_store %arg5[%swap3A_727, %swap3A_728], %broadcast_in_dim3A_3 {strides = array<i32>} : memref<32x1000xf32, #tpu.memory_space<vmem>>, vector<16xf32>,
      %swap3A_730 = arith.index_cast %add3A_565 : i32 to index
      %swap3A_731 = arith.constant 880 : index
      %swap3A_732 = tpu.vector_load %arg5[%swap3A_730, %swap3A_731] {strides = array<i32>} : memref<32x1000xf32, #tpu.memory_space<vmem>>, vector<16xf32>,
      tpu.vector_store %arg5[%swap3A_730, %swap3A_731], %broadcast_in_dim3A_3 {strides = array<i32>} : memref<32x1000xf32, #tpu.memory_space<vmem>>, vector<16xf32>,
      %swap3A_733 = arith.index_cast %add3A_565 : i32 to index
      %swap3A_734 = arith.constant 896 : index
      %swap3A_735 = tpu.vector_load %arg5[%swap3A_733, %swap3A_734] {strides = array<i32>} : memref<32x1000xf32, #tpu.memory_space<vmem>>, vector<16xf32>,
      tpu.vector_store %arg5[%swap3A_733, %swap3A_734], %broadcast_in_dim3A_3 {strides = array<i32>} : memref<32x1000xf32, #tpu.memory_space<vmem>>, vector<16xf32>,
      %swap3A_736 = arith.index_cast %add3A_565 : i32 to index
      %swap3A_737 = arith.constant 912 : index
      %swap3A_738 = tpu.vector_load %arg5[%swap3A_736, %swap3A_737] {strides = array<i32>} : memref<32x1000xf32, #tpu.memory_space<vmem>>, vector<16xf32>,
      tpu.vector_store %arg5[%swap3A_736, %swap3A_737], %broadcast_in_dim3A_3 {strides = array<i32>} : memref<32x1000xf32, #tpu.memory_space<vmem>>, vector<16xf32>,
      %swap3A_739 = arith.index_cast %add3A_565 : i32 to index
      %swap3A_740 = arith.constant 928 : index
      %swap3A_741 = tpu.vector_load %arg5[%swap3A_739, %swap3A_740] {strides = array<i32>} : memref<32x1000xf32, #tpu.memory_space<vmem>>, vector<16xf32>,
      tpu.vector_store %arg5[%swap3A_739, %swap3A_740], %broadcast_in_dim3A_3 {strides = array<i32>} : memref<32x1000xf32, #tpu.memory_space<vmem>>, vector<16xf32>,
      %swap3A_742 = arith.index_cast %add3A_565 : i32 to index
      %swap3A_743 = arith.constant 944 : index
      %swap3A_744 = tpu.vector_load %arg5[%swap3A_742, %swap3A_743] {strides = array<i32>} : memref<32x1000xf32, #tpu.memory_space<vmem>>, vector<16xf32>,
      tpu.vector_store %arg5[%swap3A_742, %swap3A_743], %broadcast_in_dim3A_3 {strides = array<i32>} : memref<32x1000xf32, #tpu.memory_space<vmem>>, vector<16xf32>,
      %swap3A_745 = arith.index_cast %add3A_565 : i32 to index
      %swap3A_746 = arith.constant 960 : index
      %swap3A_747 = tpu.vector_load %arg5[%swap3A_745, %swap3A_746] {strides = array<i32>} : memref<32x1000xf32, #tpu.memory_space<vmem>>, vector<16xf32>,
      tpu.vector_store %arg5[%swap3A_745, %swap3A_746], %broadcast_in_dim3A_3 {strides = array<i32>} : memref<32x1000xf32, #tpu.memory_space<vmem>>, vector<16xf32>,
      %swap3A_748 = arith.index_cast %add3A_565 : i32 to index
      %swap3A_749 = arith.constant 976 : index
      %swap3A_750 = tpu.vector_load %arg5[%swap3A_748, %swap3A_749] {strides = array<i32>} : memref<32x1000xf32, #tpu.memory_space<vmem>>, vector<16xf32>,
      tpu.vector_store %arg5[%swap3A_748, %swap3A_749], %broadcast_in_dim3A_3 {strides = array<i32>} : memref<32x1000xf32, #tpu.memory_space<vmem>>, vector<16xf32>,
      %swap3A_751 = arith.index_cast %add3A_565 : i32 to index
      %swap3A_752 = arith.constant 984 : index
      %swap3A_753 = tpu.vector_load %arg5[%swap3A_751, %swap3A_752] {strides = array<i32>} : memref<32x1000xf32, #tpu.memory_space<vmem>>, vector<16xf32>,
      tpu.vector_store %arg5[%swap3A_751, %swap3A_752], %broadcast_in_dim3A_3 {strides = array<i32>} : memref<32x1000xf32, #tpu.memory_space<vmem>>, vector<16xf32>,
    }
    %scan3A_9 = arith.constant 32 : i32
    %get3A = arith.constant 0 : index
    %get3A_10 = tpu.vector_load %arg4[%get3A] {strides = array<i32>} : memref<512xi32, #tpu.memory_space<vmem>>, vector<16xi32>,
    %add3A_11 = arith.constant 0 : i32
    %add3A_12 = vector.broadcast %add3A_11 : i32 to vector<16xi32>
    %add3A_13 = arith.addi %iota3A, %add3A_12 : vector<16xi32>
    tpu.vector_store_idx %arg5[%add3A_13, %get3A_10], %broadcast_in_dim3A_5 : memref<32x1000xf32, #tpu.memory_space<vmem>>[vector<16xi32>, vector<16xi32>], vector<16xf32>,
    %get3A_14 = arith.constant 16 : index
    %get3A_15 = tpu.vector_load %arg4[%get3A_14] {strides = array<i32>} : memref<512xi32, #tpu.memory_space<vmem>>, vector<16xi32>,
    %add3A_16 = arith.constant 16 : i32
    %add3A_17 = vector.broadcast %add3A_16 : i32 to vector<16xi32>
    %add3A_18 = arith.addi %iota3A, %add3A_17 : vector<16xi32>
    tpu.vector_store_idx %arg5[%add3A_18, %get3A_15], %broadcast_in_dim3A_5 : memref<32x1000xf32, #tpu.memory_space<vmem>>[vector<16xi32>, vector<16xi32>], vector<16xf32>,
    %add3A_19 = arith.constant 0 : i32
    %add3A_20 = arith.addi %mul3A_2, %add3A_19 : i32
    %add3A_21 = arith.constant 0 : i32
    %add3A_22 = arith.addi %add3A_20, %add3A_21 : i32
    %dma_start3A = arith.constant 0 : i32
    %dma_start3A_23 = arith.constant 0 : i32
    %dma_start3A_24 = tpu.memref_slice %arg5[%dma_start3A, %dma_start3A_23] : memref<32x1000xf32, #tpu.memory_space<vmem>> -> memref<32x1000xf32, #tpu.memory_space<vmem>>
    %dma_start3A_25 = arith.constant 0 : i32
    %dma_start3A_26 = tpu.memref_slice %arg3[%add3A_22, %dma_start3A_25] : memref<16384x1000xf32, #tpu.memory_space<hbm>> -> memref<32x1000xf32, #tpu.memory_space<hbm>>
    %dma_start3A_27 = arith.constant 0 : i32
    %dma_start3A_28 = tpu.memref_slice %arg3[%add3A_22, %dma_start3A_27] : memref<16384x1000xf32, #tpu.memory_space<hbm>> -> memref<32x1000xf32, #tpu.memory_space<hbm>>
    %dma_start3A_29 = arith.constant 0 : i32
    %dma_start3A_30 = arith.constant 0 : i32
    %dma_start3A_31 = tpu.memref_slice %arg5[%dma_start3A_29, %dma_start3A_30] : memref<32x1000xf32, #tpu.memory_space<vmem>> -> memref<32x1000xf32, #tpu.memory_space<vmem>>
    tpu.enqueue_dma source(%dma_start3A_31 : memref<32x1000xf32, #tpu.memory_space<vmem>>) target(%dma_start3A_28 : memref<32x1000xf32, #tpu.memory_space<hbm>>) target_semaphore(%arg8 : memref<!tpu.dma_semaphore, #tpu.memory_space<semaphore_mem>>)
    %scan3A_32 = arith.constant 0 : i32
    %scan3A_33 = arith.constant 32 : i32
    %scan3A_34 = arith.addi %scan3A_32, %scan3A_33 : i32
    %scan3A_35 = arith.constant 1 : i32
    scf.for %scan3A_561 = %scan3A_32 to %scan3A_34 step %scan3A_35  : i32 {
      %mul3A_562 = arith.constant 1 : i32
      %mul3A_563 = arith.muli %scan3A_561, %mul3A_562 : i32
      %add3A_564 = arith.constant 0 : i32
      %add3A_565 = arith.addi %add3A_564, %mul3A_563 : i32
      %swap3A = arith.index_cast %add3A_565 : i32 to index
      %swap3A_566 = arith.constant 0 : index
      %swap3A_567 = tpu.vector_load %arg6[%swap3A, %swap3A_566] {strides = array<i32>} : memref<32x1000xf32, #tpu.memory_space<vmem>>, vector<16xf32>,
      tpu.vector_store %arg6[%swap3A, %swap3A_566], %broadcast_in_dim3A_3 {strides = array<i32>} : memref<32x1000xf32, #tpu.memory_space<vmem>>, vector<16xf32>,
      %swap3A_568 = arith.index_cast %add3A_565 : i32 to index
      %swap3A_569 = arith.constant 16 : index
      %swap3A_570 = tpu.vector_load %arg6[%swap3A_568, %swap3A_569] {strides = array<i32>} : memref<32x1000xf32, #tpu.memory_space<vmem>>, vector<16xf32>,
      tpu.vector_store %arg6[%swap3A_568, %swap3A_569], %broadcast_in_dim3A_3 {strides = array<i32>} : memref<32x1000xf32, #tpu.memory_space<vmem>>, vector<16xf32>,
      %swap3A_571 = arith.index_cast %add3A_565 : i32 to index
      %swap3A_572 = arith.constant 32 : index
      %swap3A_573 = tpu.vector_load %arg6[%swap3A_571, %swap3A_572] {strides = array<i32>} : memref<32x1000xf32, #tpu.memory_space<vmem>>, vector<16xf32>,
      tpu.vector_store %arg6[%swap3A_571, %swap3A_572], %broadcast_in_dim3A_3 {strides = array<i32>} : memref<32x1000xf32, #tpu.memory_space<vmem>>, vector<16xf32>,
      %swap3A_574 = arith.index_cast %add3A_565 : i32 to index
      %swap3A_575 = arith.constant 48 : index
      %swap3A_576 = tpu.vector_load %arg6[%swap3A_574, %swap3A_575] {strides = array<i32>} : memref<32x1000xf32, #tpu.memory_space<vmem>>, vector<16xf32>,
      tpu.vector_store %arg6[%swap3A_574, %swap3A_575], %broadcast_in_dim3A_3 {strides = array<i32>} : memref<32x1000xf32, #tpu.memory_space<vmem>>, vector<16xf32>,
      %swap3A_577 = arith.index_cast %add3A_565 : i32 to index
      %swap3A_578 = arith.constant 64 : index
      %swap3A_579 = tpu.vector_load %arg6[%swap3A_577, %swap3A_578] {strides = array<i32>} : memref<32x1000xf32, #tpu.memory_space<vmem>>, vector<16xf32>,
      tpu.vector_store %arg6[%swap3A_577, %swap3A_578], %broadcast_in_dim3A_3 {strides = array<i32>} : memref<32x1000xf32, #tpu.memory_space<vmem>>, vector<16xf32>,
      %swap3A_580 = arith.index_cast %add3A_565 : i32 to index
      %swap3A_581 = arith.constant 80 : index
      %swap3A_582 = tpu.vector_load %arg6[%swap3A_580, %swap3A_581] {strides = array<i32>} : memref<32x1000xf32, #tpu.memory_space<vmem>>, vector<16xf32>,
      tpu.vector_store %arg6[%swap3A_580, %swap3A_581], %broadcast_in_dim3A_3 {strides = array<i32>} : memref<32x1000xf32, #tpu.memory_space<vmem>>, vector<16xf32>,
      %swap3A_583 = arith.index_cast %add3A_565 : i32 to index
      %swap3A_584 = arith.constant 96 : index
      %swap3A_585 = tpu.vector_load %arg6[%swap3A_583, %swap3A_584] {strides = array<i32>} : memref<32x1000xf32, #tpu.memory_space<vmem>>, vector<16xf32>,
      tpu.vector_store %arg6[%swap3A_583, %swap3A_584], %broadcast_in_dim3A_3 {strides = array<i32>} : memref<32x1000xf32, #tpu.memory_space<vmem>>, vector<16xf32>,
      %swap3A_586 = arith.index_cast %add3A_565 : i32 to index
      %swap3A_587 = arith.constant 112 : index
      %swap3A_588 = tpu.vector_load %arg6[%swap3A_586, %swap3A_587] {strides = array<i32>} : memref<32x1000xf32, #tpu.memory_space<vmem>>, vector<16xf32>,
      tpu.vector_store %arg6[%swap3A_586, %swap3A_587], %broadcast_in_dim3A_3 {strides = array<i32>} : memref<32x1000xf32, #tpu.memory_space<vmem>>, vector<16xf32>,
      %swap3A_589 = arith.index_cast %add3A_565 : i32 to index
      %swap3A_590 = arith.constant 128 : index
      %swap3A_591 = tpu.vector_load %arg6[%swap3A_589, %swap3A_590] {strides = array<i32>} : memref<32x1000xf32, #tpu.memory_space<vmem>>, vector<16xf32>,
      tpu.vector_store %arg6[%swap3A_589, %swap3A_590], %broadcast_in_dim3A_3 {strides = array<i32>} : memref<32x1000xf32, #tpu.memory_space<vmem>>, vector<16xf32>,
      %swap3A_592 = arith.index_cast %add3A_565 : i32 to index
      %swap3A_593 = arith.constant 144 : index
      %swap3A_594 = tpu.vector_load %arg6[%swap3A_592, %swap3A_593] {strides = array<i32>} : memref<32x1000xf32, #tpu.memory_space<vmem>>, vector<16xf32>,
      tpu.vector_store %arg6[%swap3A_592, %swap3A_593], %broadcast_in_dim3A_3 {strides = array<i32>} : memref<32x1000xf32, #tpu.memory_space<vmem>>, vector<16xf32>,
      %swap3A_595 = arith.index_cast %add3A_565 : i32 to index
      %swap3A_596 = arith.constant 160 : index
      %swap3A_597 = tpu.vector_load %arg6[%swap3A_595, %swap3A_596] {strides = array<i32>} : memref<32x1000xf32, #tpu.memory_space<vmem>>, vector<16xf32>,
      tpu.vector_store %arg6[%swap3A_595, %swap3A_596], %broadcast_in_dim3A_3 {strides = array<i32>} : memref<32x1000xf32, #tpu.memory_space<vmem>>, vector<16xf32>,
      %swap3A_598 = arith.index_cast %add3A_565 : i32 to index
      %swap3A_599 = arith.constant 176 : index
      %swap3A_600 = tpu.vector_load %arg6[%swap3A_598, %swap3A_599] {strides = array<i32>} : memref<32x1000xf32, #tpu.memory_space<vmem>>, vector<16xf32>,
      tpu.vector_store %arg6[%swap3A_598, %swap3A_599], %broadcast_in_dim3A_3 {strides = array<i32>} : memref<32x1000xf32, #tpu.memory_space<vmem>>, vector<16xf32>,
      %swap3A_601 = arith.index_cast %add3A_565 : i32 to index
      %swap3A_602 = arith.constant 192 : index
      %swap3A_603 = tpu.vector_load %arg6[%swap3A_601, %swap3A_602] {strides = array<i32>} : memref<32x1000xf32, #tpu.memory_space<vmem>>, vector<16xf32>,
      tpu.vector_store %arg6[%swap3A_601, %swap3A_602], %broadcast_in_dim3A_3 {strides = array<i32>} : memref<32x1000xf32, #tpu.memory_space<vmem>>, vector<16xf32>,
      %swap3A_604 = arith.index_cast %add3A_565 : i32 to index
      %swap3A_605 = arith.constant 208 : index
      %swap3A_606 = tpu.vector_load %arg6[%swap3A_604, %swap3A_605] {strides = array<i32>} : memref<32x1000xf32, #tpu.memory_space<vmem>>, vector<16xf32>,
      tpu.vector_store %arg6[%swap3A_604, %swap3A_605], %broadcast_in_dim3A_3 {strides = array<i32>} : memref<32x1000xf32, #tpu.memory_space<vmem>>, vector<16xf32>,
      %swap3A_607 = arith.index_cast %add3A_565 : i32 to index
      %swap3A_608 = arith.constant 224 : index
      %swap3A_609 = tpu.vector_load %arg6[%swap3A_607, %swap3A_608] {strides = array<i32>} : memref<32x1000xf32, #tpu.memory_space<vmem>>, vector<16xf32>,
      tpu.vector_store %arg6[%swap3A_607, %swap3A_608], %broadcast_in_dim3A_3 {strides = array<i32>} : memref<32x1000xf32, #tpu.memory_space<vmem>>, vector<16xf32>,
      %swap3A_610 = arith.index_cast %add3A_565 : i32 to index
      %swap3A_611 = arith.constant 240 : index
      %swap3A_612 = tpu.vector_load %arg6[%swap3A_610, %swap3A_611] {strides = array<i32>} : memref<32x1000xf32, #tpu.memory_space<vmem>>, vector<16xf32>,
      tpu.vector_store %arg6[%swap3A_610, %swap3A_611], %broadcast_in_dim3A_3 {strides = array<i32>} : memref<32x1000xf32, #tpu.memory_space<vmem>>, vector<16xf32>,
      %swap3A_613 = arith.index_cast %add3A_565 : i32 to index
      %swap3A_614 = arith.constant 256 : index
      %swap3A_615 = tpu.vector_load %arg6[%swap3A_613, %swap3A_614] {strides = array<i32>} : memref<32x1000xf32, #tpu.memory_space<vmem>>, vector<16xf32>,
      tpu.vector_store %arg6[%swap3A_613, %swap3A_614], %broadcast_in_dim3A_3 {strides = array<i32>} : memref<32x1000xf32, #tpu.memory_space<vmem>>, vector<16xf32>,
      %swap3A_616 = arith.index_cast %add3A_565 : i32 to index
      %swap3A_617 = arith.constant 272 : index
      %swap3A_618 = tpu.vector_load %arg6[%swap3A_616, %swap3A_617] {strides = array<i32>} : memref<32x1000xf32, #tpu.memory_space<vmem>>, vector<16xf32>,
      tpu.vector_store %arg6[%swap3A_616, %swap3A_617], %broadcast_in_dim3A_3 {strides = array<i32>} : memref<32x1000xf32, #tpu.memory_space<vmem>>, vector<16xf32>,
      %swap3A_619 = arith.index_cast %add3A_565 : i32 to index
      %swap3A_620 = arith.constant 288 : index
      %swap3A_621 = tpu.vector_load %arg6[%swap3A_619, %swap3A_620] {strides = array<i32>} : memref<32x1000xf32, #tpu.memory_space<vmem>>, vector<16xf32>,
      tpu.vector_store %arg6[%swap3A_619, %swap3A_620], %broadcast_in_dim3A_3 {strides = array<i32>} : memref<32x1000xf32, #tpu.memory_space<vmem>>, vector<16xf32>,
      %swap3A_622 = arith.index_cast %add3A_565 : i32 to index
      %swap3A_623 = arith.constant 304 : index
      %swap3A_624 = tpu.vector_load %arg6[%swap3A_622, %swap3A_623] {strides = array<i32>} : memref<32x1000xf32, #tpu.memory_space<vmem>>, vector<16xf32>,
      tpu.vector_store %arg6[%swap3A_622, %swap3A_623], %broadcast_in_dim3A_3 {strides = array<i32>} : memref<32x1000xf32, #tpu.memory_space<vmem>>, vector<16xf32>,
      %swap3A_625 = arith.index_cast %add3A_565 : i32 to index
      %swap3A_626 = arith.constant 320 : index
      %swap3A_627 = tpu.vector_load %arg6[%swap3A_625, %swap3A_626] {strides = array<i32>} : memref<32x1000xf32, #tpu.memory_space<vmem>>, vector<16xf32>,
      tpu.vector_store %arg6[%swap3A_625, %swap3A_626], %broadcast_in_dim3A_3 {strides = array<i32>} : memref<32x1000xf32, #tpu.memory_space<vmem>>, vector<16xf32>,
      %swap3A_628 = arith.index_cast %add3A_565 : i32 to index
      %swap3A_629 = arith.constant 336 : index
      %swap3A_630 = tpu.vector_load %arg6[%swap3A_628, %swap3A_629] {strides = array<i32>} : memref<32x1000xf32, #tpu.memory_space<vmem>>, vector<16xf32>,
      tpu.vector_store %arg6[%swap3A_628, %swap3A_629], %broadcast_in_dim3A_3 {strides = array<i32>} : memref<32x1000xf32, #tpu.memory_space<vmem>>, vector<16xf32>,
      %swap3A_631 = arith.index_cast %add3A_565 : i32 to index
      %swap3A_632 = arith.constant 352 : index
      %swap3A_633 = tpu.vector_load %arg6[%swap3A_631, %swap3A_632] {strides = array<i32>} : memref<32x1000xf32, #tpu.memory_space<vmem>>, vector<16xf32>,
      tpu.vector_store %arg6[%swap3A_631, %swap3A_632], %broadcast_in_dim3A_3 {strides = array<i32>} : memref<32x1000xf32, #tpu.memory_space<vmem>>, vector<16xf32>,
      %swap3A_634 = arith.index_cast %add3A_565 : i32 to index
      %swap3A_635 = arith.constant 368 : index
      %swap3A_636 = tpu.vector_load %arg6[%swap3A_634, %swap3A_635] {strides = array<i32>} : memref<32x1000xf32, #tpu.memory_space<vmem>>, vector<16xf32>,
      tpu.vector_store %arg6[%swap3A_634, %swap3A_635], %broadcast_in_dim3A_3 {strides = array<i32>} : memref<32x1000xf32, #tpu.memory_space<vmem>>, vector<16xf32>,
      %swap3A_637 = arith.index_cast %add3A_565 : i32 to index
      %swap3A_638 = arith.constant 384 : index
      %swap3A_639 = tpu.vector_load %arg6[%swap3A_637, %swap3A_638] {strides = array<i32>} : memref<32x1000xf32, #tpu.memory_space<vmem>>, vector<16xf32>,
      tpu.vector_store %arg6[%swap3A_637, %swap3A_638], %broadcast_in_dim3A_3 {strides = array<i32>} : memref<32x1000xf32, #tpu.memory_space<vmem>>, vector<16xf32>,
      %swap3A_640 = arith.index_cast %add3A_565 : i32 to index
      %swap3A_641 = arith.constant 400 : index
      %swap3A_642 = tpu.vector_load %arg6[%swap3A_640, %swap3A_641] {strides = array<i32>} : memref<32x1000xf32, #tpu.memory_space<vmem>>, vector<16xf32>,
      tpu.vector_store %arg6[%swap3A_640, %swap3A_641], %broadcast_in_dim3A_3 {strides = array<i32>} : memref<32x1000xf32, #tpu.memory_space<vmem>>, vector<16xf32>,
      %swap3A_643 = arith.index_cast %add3A_565 : i32 to index
      %swap3A_644 = arith.constant 416 : index
      %swap3A_645 = tpu.vector_load %arg6[%swap3A_643, %swap3A_644] {strides = array<i32>} : memref<32x1000xf32, #tpu.memory_space<vmem>>, vector<16xf32>,
      tpu.vector_store %arg6[%swap3A_643, %swap3A_644], %broadcast_in_dim3A_3 {strides = array<i32>} : memref<32x1000xf32, #tpu.memory_space<vmem>>, vector<16xf32>,
      %swap3A_646 = arith.index_cast %add3A_565 : i32 to index
      %swap3A_647 = arith.constant 432 : index
      %swap3A_648 = tpu.vector_load %arg6[%swap3A_646, %swap3A_647] {strides = array<i32>} : memref<32x1000xf32, #tpu.memory_space<vmem>>, vector<16xf32>,
      tpu.vector_store %arg6[%swap3A_646, %swap3A_647], %broadcast_in_dim3A_3 {strides = array<i32>} : memref<32x1000xf32, #tpu.memory_space<vmem>>, vector<16xf32>,
      %swap3A_649 = arith.index_cast %add3A_565 : i32 to index
      %swap3A_650 = arith.constant 448 : index
      %swap3A_651 = tpu.vector_load %arg6[%swap3A_649, %swap3A_650] {strides = array<i32>} : memref<32x1000xf32, #tpu.memory_space<vmem>>, vector<16xf32>,
      tpu.vector_store %arg6[%swap3A_649, %swap3A_650], %broadcast_in_dim3A_3 {strides = array<i32>} : memref<32x1000xf32, #tpu.memory_space<vmem>>, vector<16xf32>,
      %swap3A_652 = arith.index_cast %add3A_565 : i32 to index
      %swap3A_653 = arith.constant 464 : index
      %swap3A_654 = tpu.vector_load %arg6[%swap3A_652, %swap3A_653] {strides = array<i32>} : memref<32x1000xf32, #tpu.memory_space<vmem>>, vector<16xf32>,
      tpu.vector_store %arg6[%swap3A_652, %swap3A_653], %broadcast_in_dim3A_3 {strides = array<i32>} : memref<32x1000xf32, #tpu.memory_space<vmem>>, vector<16xf32>,
      %swap3A_655 = arith.index_cast %add3A_565 : i32 to index
      %swap3A_656 = arith.constant 480 : index
      %swap3A_657 = tpu.vector_load %arg6[%swap3A_655, %swap3A_656] {strides = array<i32>} : memref<32x1000xf32, #tpu.memory_space<vmem>>, vector<16xf32>,
      tpu.vector_store %arg6[%swap3A_655, %swap3A_656], %broadcast_in_dim3A_3 {strides = array<i32>} : memref<32x1000xf32, #tpu.memory_space<vmem>>, vector<16xf32>,
      %swap3A_658 = arith.index_cast %add3A_565 : i32 to index
      %swap3A_659 = arith.constant 496 : index
      %swap3A_660 = tpu.vector_load %arg6[%swap3A_658, %swap3A_659] {strides = array<i32>} : memref<32x1000xf32, #tpu.memory_space<vmem>>, vector<16xf32>,
      tpu.vector_store %arg6[%swap3A_658, %swap3A_659], %broadcast_in_dim3A_3 {strides = array<i32>} : memref<32x1000xf32, #tpu.memory_space<vmem>>, vector<16xf32>,
      %swap3A_661 = arith.index_cast %add3A_565 : i32 to index
      %swap3A_662 = arith.constant 512 : index
      %swap3A_663 = tpu.vector_load %arg6[%swap3A_661, %swap3A_662] {strides = array<i32>} : memref<32x1000xf32, #tpu.memory_space<vmem>>, vector<16xf32>,
      tpu.vector_store %arg6[%swap3A_661, %swap3A_662], %broadcast_in_dim3A_3 {strides = array<i32>} : memref<32x1000xf32, #tpu.memory_space<vmem>>, vector<16xf32>,
      %swap3A_664 = arith.index_cast %add3A_565 : i32 to index
      %swap3A_665 = arith.constant 528 : index
      %swap3A_666 = tpu.vector_load %arg6[%swap3A_664, %swap3A_665] {strides = array<i32>} : memref<32x1000xf32, #tpu.memory_space<vmem>>, vector<16xf32>,
      tpu.vector_store %arg6[%swap3A_664, %swap3A_665], %broadcast_in_dim3A_3 {strides = array<i32>} : memref<32x1000xf32, #tpu.memory_space<vmem>>, vector<16xf32>,
      %swap3A_667 = arith.index_cast %add3A_565 : i32 to index
      %swap3A_668 = arith.constant 544 : index
      %swap3A_669 = tpu.vector_load %arg6[%swap3A_667, %swap3A_668] {strides = array<i32>} : memref<32x1000xf32, #tpu.memory_space<vmem>>, vector<16xf32>,
      tpu.vector_store %arg6[%swap3A_667, %swap3A_668], %broadcast_in_dim3A_3 {strides = array<i32>} : memref<32x1000xf32, #tpu.memory_space<vmem>>, vector<16xf32>,
      %swap3A_670 = arith.index_cast %add3A_565 : i32 to index
      %swap3A_671 = arith.constant 560 : index
      %swap3A_672 = tpu.vector_load %arg6[%swap3A_670, %swap3A_671] {strides = array<i32>} : memref<32x1000xf32, #tpu.memory_space<vmem>>, vector<16xf32>,
      tpu.vector_store %arg6[%swap3A_670, %swap3A_671], %broadcast_in_dim3A_3 {strides = array<i32>} : memref<32x1000xf32, #tpu.memory_space<vmem>>, vector<16xf32>,
      %swap3A_673 = arith.index_cast %add3A_565 : i32 to index
      %swap3A_674 = arith.constant 576 : index
      %swap3A_675 = tpu.vector_load %arg6[%swap3A_673, %swap3A_674] {strides = array<i32>} : memref<32x1000xf32, #tpu.memory_space<vmem>>, vector<16xf32>,
      tpu.vector_store %arg6[%swap3A_673, %swap3A_674], %broadcast_in_dim3A_3 {strides = array<i32>} : memref<32x1000xf32, #tpu.memory_space<vmem>>, vector<16xf32>,
      %swap3A_676 = arith.index_cast %add3A_565 : i32 to index
      %swap3A_677 = arith.constant 592 : index
      %swap3A_678 = tpu.vector_load %arg6[%swap3A_676, %swap3A_677] {strides = array<i32>} : memref<32x1000xf32, #tpu.memory_space<vmem>>, vector<16xf32>,
      tpu.vector_store %arg6[%swap3A_676, %swap3A_677], %broadcast_in_dim3A_3 {strides = array<i32>} : memref<32x1000xf32, #tpu.memory_space<vmem>>, vector<16xf32>,
      %swap3A_679 = arith.index_cast %add3A_565 : i32 to index
      %swap3A_680 = arith.constant 608 : index
      %swap3A_681 = tpu.vector_load %arg6[%swap3A_679, %swap3A_680] {strides = array<i32>} : memref<32x1000xf32, #tpu.memory_space<vmem>>, vector<16xf32>,
      tpu.vector_store %arg6[%swap3A_679, %swap3A_680], %broadcast_in_dim3A_3 {strides = array<i32>} : memref<32x1000xf32, #tpu.memory_space<vmem>>, vector<16xf32>,
      %swap3A_682 = arith.index_cast %add3A_565 : i32 to index
      %swap3A_683 = arith.constant 624 : index
      %swap3A_684 = tpu.vector_load %arg6[%swap3A_682, %swap3A_683] {strides = array<i32>} : memref<32x1000xf32, #tpu.memory_space<vmem>>, vector<16xf32>,
      tpu.vector_store %arg6[%swap3A_682, %swap3A_683], %broadcast_in_dim3A_3 {strides = array<i32>} : memref<32x1000xf32, #tpu.memory_space<vmem>>, vector<16xf32>,
      %swap3A_685 = arith.index_cast %add3A_565 : i32 to index
      %swap3A_686 = arith.constant 640 : index
      %swap3A_687 = tpu.vector_load %arg6[%swap3A_685, %swap3A_686] {strides = array<i32>} : memref<32x1000xf32, #tpu.memory_space<vmem>>, vector<16xf32>,
      tpu.vector_store %arg6[%swap3A_685, %swap3A_686], %broadcast_in_dim3A_3 {strides = array<i32>} : memref<32x1000xf32, #tpu.memory_space<vmem>>, vector<16xf32>,
      %swap3A_688 = arith.index_cast %add3A_565 : i32 to index
      %swap3A_689 = arith.constant 656 : index
      %swap3A_690 = tpu.vector_load %arg6[%swap3A_688, %swap3A_689] {strides = array<i32>} : memref<32x1000xf32, #tpu.memory_space<vmem>>, vector<16xf32>,
      tpu.vector_store %arg6[%swap3A_688, %swap3A_689], %broadcast_in_dim3A_3 {strides = array<i32>} : memref<32x1000xf32, #tpu.memory_space<vmem>>, vector<16xf32>,
      %swap3A_691 = arith.index_cast %add3A_565 : i32 to index
      %swap3A_692 = arith.constant 672 : index
      %swap3A_693 = tpu.vector_load %arg6[%swap3A_691, %swap3A_692] {strides = array<i32>} : memref<32x1000xf32, #tpu.memory_space<vmem>>, vector<16xf32>,
      tpu.vector_store %arg6[%swap3A_691, %swap3A_692], %broadcast_in_dim3A_3 {strides = array<i32>} : memref<32x1000xf32, #tpu.memory_space<vmem>>, vector<16xf32>,
      %swap3A_694 = arith.index_cast %add3A_565 : i32 to index
      %swap3A_695 = arith.constant 688 : index
      %swap3A_696 = tpu.vector_load %arg6[%swap3A_694, %swap3A_695] {strides = array<i32>} : memref<32x1000xf32, #tpu.memory_space<vmem>>, vector<16xf32>,
      tpu.vector_store %arg6[%swap3A_694, %swap3A_695], %broadcast_in_dim3A_3 {strides = array<i32>} : memref<32x1000xf32, #tpu.memory_space<vmem>>, vector<16xf32>,
      %swap3A_697 = arith.index_cast %add3A_565 : i32 to index
      %swap3A_698 = arith.constant 704 : index
      %swap3A_699 = tpu.vector_load %arg6[%swap3A_697, %swap3A_698] {strides = array<i32>} : memref<32x1000xf32, #tpu.memory_space<vmem>>, vector<16xf32>,
      tpu.vector_store %arg6[%swap3A_697, %swap3A_698], %broadcast_in_dim3A_3 {strides = array<i32>} : memref<32x1000xf32, #tpu.memory_space<vmem>>, vector<16xf32>,
      %swap3A_700 = arith.index_cast %add3A_565 : i32 to index
      %swap3A_701 = arith.constant 720 : index
      %swap3A_702 = tpu.vector_load %arg6[%swap3A_700, %swap3A_701] {strides = array<i32>} : memref<32x1000xf32, #tpu.memory_space<vmem>>, vector<16xf32>,
      tpu.vector_store %arg6[%swap3A_700, %swap3A_701], %broadcast_in_dim3A_3 {strides = array<i32>} : memref<32x1000xf32, #tpu.memory_space<vmem>>, vector<16xf32>,
      %swap3A_703 = arith.index_cast %add3A_565 : i32 to index
      %swap3A_704 = arith.constant 736 : index
      %swap3A_705 = tpu.vector_load %arg6[%swap3A_703, %swap3A_704] {strides = array<i32>} : memref<32x1000xf32, #tpu.memory_space<vmem>>, vector<16xf32>,
      tpu.vector_store %arg6[%swap3A_703, %swap3A_704], %broadcast_in_dim3A_3 {strides = array<i32>} : memref<32x1000xf32, #tpu.memory_space<vmem>>, vector<16xf32>,
      %swap3A_706 = arith.index_cast %add3A_565 : i32 to index
      %swap3A_707 = arith.constant 752 : index
      %swap3A_708 = tpu.vector_load %arg6[%swap3A_706, %swap3A_707] {strides = array<i32>} : memref<32x1000xf32, #tpu.memory_space<vmem>>, vector<16xf32>,
      tpu.vector_store %arg6[%swap3A_706, %swap3A_707], %broadcast_in_dim3A_3 {strides = array<i32>} : memref<32x1000xf32, #tpu.memory_space<vmem>>, vector<16xf32>,
      %swap3A_709 = arith.index_cast %add3A_565 : i32 to index
      %swap3A_710 = arith.constant 768 : index
      %swap3A_711 = tpu.vector_load %arg6[%swap3A_709, %swap3A_710] {strides = array<i32>} : memref<32x1000xf32, #tpu.memory_space<vmem>>, vector<16xf32>,
      tpu.vector_store %arg6[%swap3A_709, %swap3A_710], %broadcast_in_dim3A_3 {strides = array<i32>} : memref<32x1000xf32, #tpu.memory_space<vmem>>, vector<16xf32>,
      %swap3A_712 = arith.index_cast %add3A_565 : i32 to index
      %swap3A_713 = arith.constant 784 : index
      %swap3A_714 = tpu.vector_load %arg6[%swap3A_712, %swap3A_713] {strides = array<i32>} : memref<32x1000xf32, #tpu.memory_space<vmem>>, vector<16xf32>,
      tpu.vector_store %arg6[%swap3A_712, %swap3A_713], %broadcast_in_dim3A_3 {strides = array<i32>} : memref<32x1000xf32, #tpu.memory_space<vmem>>, vector<16xf32>,
      %swap3A_715 = arith.index_cast %add3A_565 : i32 to index
      %swap3A_716 = arith.constant 800 : index
      %swap3A_717 = tpu.vector_load %arg6[%swap3A_715, %swap3A_716] {strides = array<i32>} : memref<32x1000xf32, #tpu.memory_space<vmem>>, vector<16xf32>,
      tpu.vector_store %arg6[%swap3A_715, %swap3A_716], %broadcast_in_dim3A_3 {strides = array<i32>} : memref<32x1000xf32, #tpu.memory_space<vmem>>, vector<16xf32>,
      %swap3A_718 = arith.index_cast %add3A_565 : i32 to index
      %swap3A_719 = arith.constant 816 : index
      %swap3A_720 = tpu.vector_load %arg6[%swap3A_718, %swap3A_719] {strides = array<i32>} : memref<32x1000xf32, #tpu.memory_space<vmem>>, vector<16xf32>,
      tpu.vector_store %arg6[%swap3A_718, %swap3A_719], %broadcast_in_dim3A_3 {strides = array<i32>} : memref<32x1000xf32, #tpu.memory_space<vmem>>, vector<16xf32>,
      %swap3A_721 = arith.index_cast %add3A_565 : i32 to index
      %swap3A_722 = arith.constant 832 : index
      %swap3A_723 = tpu.vector_load %arg6[%swap3A_721, %swap3A_722] {strides = array<i32>} : memref<32x1000xf32, #tpu.memory_space<vmem>>, vector<16xf32>,
      tpu.vector_store %arg6[%swap3A_721, %swap3A_722], %broadcast_in_dim3A_3 {strides = array<i32>} : memref<32x1000xf32, #tpu.memory_space<vmem>>, vector<16xf32>,
      %swap3A_724 = arith.index_cast %add3A_565 : i32 to index
      %swap3A_725 = arith.constant 848 : index
      %swap3A_726 = tpu.vector_load %arg6[%swap3A_724, %swap3A_725] {strides = array<i32>} : memref<32x1000xf32, #tpu.memory_space<vmem>>, vector<16xf32>,
      tpu.vector_store %arg6[%swap3A_724, %swap3A_725], %broadcast_in_dim3A_3 {strides = array<i32>} : memref<32x1000xf32, #tpu.memory_space<vmem>>, vector<16xf32>,
      %swap3A_727 = arith.index_cast %add3A_565 : i32 to index
      %swap3A_728 = arith.constant 864 : index
      %swap3A_729 = tpu.vector_load %arg6[%swap3A_727, %swap3A_728] {strides = array<i32>} : memref<32x1000xf32, #tpu.memory_space<vmem>>, vector<16xf32>,
      tpu.vector_store %arg6[%swap3A_727, %swap3A_728], %broadcast_in_dim3A_3 {strides = array<i32>} : memref<32x1000xf32, #tpu.memory_space<vmem>>, vector<16xf32>,
      %swap3A_730 = arith.index_cast %add3A_565 : i32 to index
      %swap3A_731 = arith.constant 880 : index
      %swap3A_732 = tpu.vector_load %arg6[%swap3A_730, %swap3A_731] {strides = array<i32>} : memref<32x1000xf32, #tpu.memory_space<vmem>>, vector<16xf32>,
      tpu.vector_store %arg6[%swap3A_730, %swap3A_731], %broadcast_in_dim3A_3 {strides = array<i32>} : memref<32x1000xf32, #tpu.memory_space<vmem>>, vector<16xf32>,
      %swap3A_733 = arith.index_cast %add3A_565 : i32 to index
      %swap3A_734 = arith.constant 896 : index
      %swap3A_735 = tpu.vector_load %arg6[%swap3A_733, %swap3A_734] {strides = array<i32>} : memref<32x1000xf32, #tpu.memory_space<vmem>>, vector<16xf32>,
      tpu.vector_store %arg6[%swap3A_733, %swap3A_734], %broadcast_in_dim3A_3 {strides = array<i32>} : memref<32x1000xf32, #tpu.memory_space<vmem>>, vector<16xf32>,
      %swap3A_736 = arith.index_cast %add3A_565 : i32 to index
      %swap3A_737 = arith.constant 912 : index
      %swap3A_738 = tpu.vector_load %arg6[%swap3A_736, %swap3A_737] {strides = array<i32>} : memref<32x1000xf32, #tpu.memory_space<vmem>>, vector<16xf32>,
      tpu.vector_store %arg6[%swap3A_736, %swap3A_737], %broadcast_in_dim3A_3 {strides = array<i32>} : memref<32x1000xf32, #tpu.memory_space<vmem>>, vector<16xf32>,
      %swap3A_739 = arith.index_cast %add3A_565 : i32 to index
      %swap3A_740 = arith.constant 928 : index
      %swap3A_741 = tpu.vector_load %arg6[%swap3A_739, %swap3A_740] {strides = array<i32>} : memref<32x1000xf32, #tpu.memory_space<vmem>>, vector<16xf32>,
      tpu.vector_store %arg6[%swap3A_739, %swap3A_740], %broadcast_in_dim3A_3 {strides = array<i32>} : memref<32x1000xf32, #tpu.memory_space<vmem>>, vector<16xf32>,
      %swap3A_742 = arith.index_cast %add3A_565 : i32 to index
      %swap3A_743 = arith.constant 944 : index
      %swap3A_744 = tpu.vector_load %arg6[%swap3A_742, %swap3A_743] {strides = array<i32>} : memref<32x1000xf32, #tpu.memory_space<vmem>>, vector<16xf32>,
      tpu.vector_store %arg6[%swap3A_742, %swap3A_743], %broadcast_in_dim3A_3 {strides = array<i32>} : memref<32x1000xf32, #tpu.memory_space<vmem>>, vector<16xf32>,
      %swap3A_745 = arith.index_cast %add3A_565 : i32 to index
      %swap3A_746 = arith.constant 960 : index
      %swap3A_747 = tpu.vector_load %arg6[%swap3A_745, %swap3A_746] {strides = array<i32>} : memref<32x1000xf32, #tpu.memory_space<vmem>>, vector<16xf32>,
      tpu.vector_store %arg6[%swap3A_745, %swap3A_746], %broadcast_in_dim3A_3 {strides = array<i32>} : memref<32x1000xf32, #tpu.memory_space<vmem>>, vector<16xf32>,
      %swap3A_748 = arith.index_cast %add3A_565 : i32 to index
      %swap3A_749 = arith.constant 976 : index
      %swap3A_750 = tpu.vector_load %arg6[%swap3A_748, %swap3A_749] {strides = array<i32>} : memref<32x1000xf32, #tpu.memory_space<vmem>>, vector<16xf32>,
      tpu.vector_store %arg6[%swap3A_748, %swap3A_749], %broadcast_in_dim3A_3 {strides = array<i32>} : memref<32x1000xf32, #tpu.memory_space<vmem>>, vector<16xf32>,
      %swap3A_751 = arith.index_cast %add3A_565 : i32 to index
      %swap3A_752 = arith.constant 984 : index
      %swap3A_753 = tpu.vector_load %arg6[%swap3A_751, %swap3A_752] {strides = array<i32>} : memref<32x1000xf32, #tpu.memory_space<vmem>>, vector<16xf32>,
      tpu.vector_store %arg6[%swap3A_751, %swap3A_752], %broadcast_in_dim3A_3 {strides = array<i32>} : memref<32x1000xf32, #tpu.memory_space<vmem>>, vector<16xf32>,
    }
    %scan3A_36 = arith.constant 32 : i32
    %get3A_37 = arith.constant 32 : index
    %get3A_38 = tpu.vector_load %arg4[%get3A_37] {strides = array<i32>} : memref<512xi32, #tpu.memory_space<vmem>>, vector<16xi32>,
    %add3A_39 = arith.constant 0 : i32
    %add3A_40 = vector.broadcast %add3A_39 : i32 to vector<16xi32>
    %add3A_41 = arith.addi %iota3A, %add3A_40 : vector<16xi32>
    tpu.vector_store_idx %arg6[%add3A_41, %get3A_38], %broadcast_in_dim3A_5 : memref<32x1000xf32, #tpu.memory_space<vmem>>[vector<16xi32>, vector<16xi32>], vector<16xf32>,
    %get3A_42 = arith.constant 48 : index
    %get3A_43 = tpu.vector_load %arg4[%get3A_42] {strides = array<i32>} : memref<512xi32, #tpu.memory_space<vmem>>, vector<16xi32>,
    %add3A_44 = arith.constant 16 : i32
    %add3A_45 = vector.broadcast %add3A_44 : i32 to vector<16xi32>
    %add3A_46 = arith.addi %iota3A, %add3A_45 : vector<16xi32>
    tpu.vector_store_idx %arg6[%add3A_46, %get3A_43], %broadcast_in_dim3A_5 : memref<32x1000xf32, #tpu.memory_space<vmem>>[vector<16xi32>, vector<16xi32>], vector<16xf32>,
    %add3A_47 = arith.constant 32 : i32
    %add3A_48 = arith.addi %mul3A_2, %add3A_47 : i32
    %add3A_49 = arith.constant 0 : i32
    %add3A_50 = arith.addi %add3A_48, %add3A_49 : i32
    %dma_start3A_51 = arith.constant 0 : i32
    %dma_start3A_52 = arith.constant 0 : i32
    %dma_start3A_53 = tpu.memref_slice %arg6[%dma_start3A_51, %dma_start3A_52] : memref<32x1000xf32, #tpu.memory_space<vmem>> -> memref<32x1000xf32, #tpu.memory_space<vmem>>
    %dma_start3A_54 = arith.constant 0 : i32
    %dma_start3A_55 = tpu.memref_slice %arg3[%add3A_50, %dma_start3A_54] : memref<16384x1000xf32, #tpu.memory_space<hbm>> -> memref<32x1000xf32, #tpu.memory_space<hbm>>
    %dma_start3A_56 = arith.constant 0 : i32
    %dma_start3A_57 = tpu.memref_slice %arg3[%add3A_50, %dma_start3A_56] : memref<16384x1000xf32, #tpu.memory_space<hbm>> -> memref<32x1000xf32, #tpu.memory_space<hbm>>
    %dma_start3A_58 = arith.constant 0 : i32
    %dma_start3A_59 = arith.constant 0 : i32
    %dma_start3A_60 = tpu.memref_slice %arg6[%dma_start3A_58, %dma_start3A_59] : memref<32x1000xf32, #tpu.memory_space<vmem>> -> memref<32x1000xf32, #tpu.memory_space<vmem>>
    tpu.enqueue_dma source(%dma_start3A_60 : memref<32x1000xf32, #tpu.memory_space<vmem>>) target(%dma_start3A_57 : memref<32x1000xf32, #tpu.memory_space<hbm>>) target_semaphore(%arg9 : memref<!tpu.dma_semaphore, #tpu.memory_space<semaphore_mem>>)
    %scan3A_61 = arith.constant 0 : i32
    %scan3A_62 = arith.constant 32 : i32
    %scan3A_63 = arith.addi %scan3A_61, %scan3A_62 : i32
    %scan3A_64 = arith.constant 1 : i32
    scf.for %scan3A_561 = %scan3A_61 to %scan3A_63 step %scan3A_64  : i32 {
      %mul3A_562 = arith.constant 1 : i32
      %mul3A_563 = arith.muli %scan3A_561, %mul3A_562 : i32
      %add3A_564 = arith.constant 0 : i32
      %add3A_565 = arith.addi %add3A_564, %mul3A_563 : i32
      %swap3A = arith.index_cast %add3A_565 : i32 to index
      %swap3A_566 = arith.constant 0 : index
      %swap3A_567 = tpu.vector_load %arg7[%swap3A, %swap3A_566] {strides = array<i32>} : memref<32x1000xf32, #tpu.memory_space<vmem>>, vector<16xf32>,
      tpu.vector_store %arg7[%swap3A, %swap3A_566], %broadcast_in_dim3A_3 {strides = array<i32>} : memref<32x1000xf32, #tpu.memory_space<vmem>>, vector<16xf32>,
      %swap3A_568 = arith.index_cast %add3A_565 : i32 to index
      %swap3A_569 = arith.constant 16 : index
      %swap3A_570 = tpu.vector_load %arg7[%swap3A_568, %swap3A_569] {strides = array<i32>} : memref<32x1000xf32, #tpu.memory_space<vmem>>, vector<16xf32>,
      tpu.vector_store %arg7[%swap3A_568, %swap3A_569], %broadcast_in_dim3A_3 {strides = array<i32>} : memref<32x1000xf32, #tpu.memory_space<vmem>>, vector<16xf32>,
      %swap3A_571 = arith.index_cast %add3A_565 : i32 to index
      %swap3A_572 = arith.constant 32 : index
      %swap3A_573 = tpu.vector_load %arg7[%swap3A_571, %swap3A_572] {strides = array<i32>} : memref<32x1000xf32, #tpu.memory_space<vmem>>, vector<16xf32>,
      tpu.vector_store %arg7[%swap3A_571, %swap3A_572], %broadcast_in_dim3A_3 {strides = array<i32>} : memref<32x1000xf32, #tpu.memory_space<vmem>>, vector<16xf32>,
      %swap3A_574 = arith.index_cast %add3A_565 : i32 to index
      %swap3A_575 = arith.constant 48 : index
      %swap3A_576 = tpu.vector_load %arg7[%swap3A_574, %swap3A_575] {strides = array<i32>} : memref<32x1000xf32, #tpu.memory_space<vmem>>, vector<16xf32>,
      tpu.vector_store %arg7[%swap3A_574, %swap3A_575], %broadcast_in_dim3A_3 {strides = array<i32>} : memref<32x1000xf32, #tpu.memory_space<vmem>>, vector<16xf32>,
      %swap3A_577 = arith.index_cast %add3A_565 : i32 to index
      %swap3A_578 = arith.constant 64 : index
      %swap3A_579 = tpu.vector_load %arg7[%swap3A_577, %swap3A_578] {strides = array<i32>} : memref<32x1000xf32, #tpu.memory_space<vmem>>, vector<16xf32>,
      tpu.vector_store %arg7[%swap3A_577, %swap3A_578], %broadcast_in_dim3A_3 {strides = array<i32>} : memref<32x1000xf32, #tpu.memory_space<vmem>>, vector<16xf32>,
      %swap3A_580 = arith.index_cast %add3A_565 : i32 to index
      %swap3A_581 = arith.constant 80 : index
      %swap3A_582 = tpu.vector_load %arg7[%swap3A_580, %swap3A_581] {strides = array<i32>} : memref<32x1000xf32, #tpu.memory_space<vmem>>, vector<16xf32>,
      tpu.vector_store %arg7[%swap3A_580, %swap3A_581], %broadcast_in_dim3A_3 {strides = array<i32>} : memref<32x1000xf32, #tpu.memory_space<vmem>>, vector<16xf32>,
      %swap3A_583 = arith.index_cast %add3A_565 : i32 to index
      %swap3A_584 = arith.constant 96 : index
      %swap3A_585 = tpu.vector_load %arg7[%swap3A_583, %swap3A_584] {strides = array<i32>} : memref<32x1000xf32, #tpu.memory_space<vmem>>, vector<16xf32>,
      tpu.vector_store %arg7[%swap3A_583, %swap3A_584], %broadcast_in_dim3A_3 {strides = array<i32>} : memref<32x1000xf32, #tpu.memory_space<vmem>>, vector<16xf32>,
      %swap3A_586 = arith.index_cast %add3A_565 : i32 to index
      %swap3A_587 = arith.constant 112 : index
      %swap3A_588 = tpu.vector_load %arg7[%swap3A_586, %swap3A_587] {strides = array<i32>} : memref<32x1000xf32, #tpu.memory_space<vmem>>, vector<16xf32>,
      tpu.vector_store %arg7[%swap3A_586, %swap3A_587], %broadcast_in_dim3A_3 {strides = array<i32>} : memref<32x1000xf32, #tpu.memory_space<vmem>>, vector<16xf32>,
      %swap3A_589 = arith.index_cast %add3A_565 : i32 to index
      %swap3A_590 = arith.constant 128 : index
      %swap3A_591 = tpu.vector_load %arg7[%swap3A_589, %swap3A_590] {strides = array<i32>} : memref<32x1000xf32, #tpu.memory_space<vmem>>, vector<16xf32>,
      tpu.vector_store %arg7[%swap3A_589, %swap3A_590], %broadcast_in_dim3A_3 {strides = array<i32>} : memref<32x1000xf32, #tpu.memory_space<vmem>>, vector<16xf32>,
      %swap3A_592 = arith.index_cast %add3A_565 : i32 to index
      %swap3A_593 = arith.constant 144 : index
      %swap3A_594 = tpu.vector_load %arg7[%swap3A_592, %swap3A_593] {strides = array<i32>} : memref<32x1000xf32, #tpu.memory_space<vmem>>, vector<16xf32>,
      tpu.vector_store %arg7[%swap3A_592, %swap3A_593], %broadcast_in_dim3A_3 {strides = array<i32>} : memref<32x1000xf32, #tpu.memory_space<vmem>>, vector<16xf32>,
      %swap3A_595 = arith.index_cast %add3A_565 : i32 to index
      %swap3A_596 = arith.constant 160 : index
      %swap3A_597 = tpu.vector_load %arg7[%swap3A_595, %swap3A_596] {strides = array<i32>} : memref<32x1000xf32, #tpu.memory_space<vmem>>, vector<16xf32>,
      tpu.vector_store %arg7[%swap3A_595, %swap3A_596], %broadcast_in_dim3A_3 {strides = array<i32>} : memref<32x1000xf32, #tpu.memory_space<vmem>>, vector<16xf32>,
      %swap3A_598 = arith.index_cast %add3A_565 : i32 to index
      %swap3A_599 = arith.constant 176 : index
      %swap3A_600 = tpu.vector_load %arg7[%swap3A_598, %swap3A_599] {strides = array<i32>} : memref<32x1000xf32, #tpu.memory_space<vmem>>, vector<16xf32>,
      tpu.vector_store %arg7[%swap3A_598, %swap3A_599], %broadcast_in_dim3A_3 {strides = array<i32>} : memref<32x1000xf32, #tpu.memory_space<vmem>>, vector<16xf32>,
      %swap3A_601 = arith.index_cast %add3A_565 : i32 to index
      %swap3A_602 = arith.constant 192 : index
      %swap3A_603 = tpu.vector_load %arg7[%swap3A_601, %swap3A_602] {strides = array<i32>} : memref<32x1000xf32, #tpu.memory_space<vmem>>, vector<16xf32>,
      tpu.vector_store %arg7[%swap3A_601, %swap3A_602], %broadcast_in_dim3A_3 {strides = array<i32>} : memref<32x1000xf32, #tpu.memory_space<vmem>>, vector<16xf32>,
      %swap3A_604 = arith.index_cast %add3A_565 : i32 to index
      %swap3A_605 = arith.constant 208 : index
      %swap3A_606 = tpu.vector_load %arg7[%swap3A_604, %swap3A_605] {strides = array<i32>} : memref<32x1000xf32, #tpu.memory_space<vmem>>, vector<16xf32>,
      tpu.vector_store %arg7[%swap3A_604, %swap3A_605], %broadcast_in_dim3A_3 {strides = array<i32>} : memref<32x1000xf32, #tpu.memory_space<vmem>>, vector<16xf32>,
      %swap3A_607 = arith.index_cast %add3A_565 : i32 to index
      %swap3A_608 = arith.constant 224 : index
      %swap3A_609 = tpu.vector_load %arg7[%swap3A_607, %swap3A_608] {strides = array<i32>} : memref<32x1000xf32, #tpu.memory_space<vmem>>, vector<16xf32>,
      tpu.vector_store %arg7[%swap3A_607, %swap3A_608], %broadcast_in_dim3A_3 {strides = array<i32>} : memref<32x1000xf32, #tpu.memory_space<vmem>>, vector<16xf32>,
      %swap3A_610 = arith.index_cast %add3A_565 : i32 to index
      %swap3A_611 = arith.constant 240 : index
      %swap3A_612 = tpu.vector_load %arg7[%swap3A_610, %swap3A_611] {strides = array<i32>} : memref<32x1000xf32, #tpu.memory_space<vmem>>, vector<16xf32>,
      tpu.vector_store %arg7[%swap3A_610, %swap3A_611], %broadcast_in_dim3A_3 {strides = array<i32>} : memref<32x1000xf32, #tpu.memory_space<vmem>>, vector<16xf32>,
      %swap3A_613 = arith.index_cast %add3A_565 : i32 to index
      %swap3A_614 = arith.constant 256 : index
      %swap3A_615 = tpu.vector_load %arg7[%swap3A_613, %swap3A_614] {strides = array<i32>} : memref<32x1000xf32, #tpu.memory_space<vmem>>, vector<16xf32>,
      tpu.vector_store %arg7[%swap3A_613, %swap3A_614], %broadcast_in_dim3A_3 {strides = array<i32>} : memref<32x1000xf32, #tpu.memory_space<vmem>>, vector<16xf32>,
      %swap3A_616 = arith.index_cast %add3A_565 : i32 to index
      %swap3A_617 = arith.constant 272 : index
      %swap3A_618 = tpu.vector_load %arg7[%swap3A_616, %swap3A_617] {strides = array<i32>} : memref<32x1000xf32, #tpu.memory_space<vmem>>, vector<16xf32>,
      tpu.vector_store %arg7[%swap3A_616, %swap3A_617], %broadcast_in_dim3A_3 {strides = array<i32>} : memref<32x1000xf32, #tpu.memory_space<vmem>>, vector<16xf32>,
      %swap3A_619 = arith.index_cast %add3A_565 : i32 to index
      %swap3A_620 = arith.constant 288 : index
      %swap3A_621 = tpu.vector_load %arg7[%swap3A_619, %swap3A_620] {strides = array<i32>} : memref<32x1000xf32, #tpu.memory_space<vmem>>, vector<16xf32>,
      tpu.vector_store %arg7[%swap3A_619, %swap3A_620], %broadcast_in_dim3A_3 {strides = array<i32>} : memref<32x1000xf32, #tpu.memory_space<vmem>>, vector<16xf32>,
      %swap3A_622 = arith.index_cast %add3A_565 : i32 to index
      %swap3A_623 = arith.constant 304 : index
      %swap3A_624 = tpu.vector_load %arg7[%swap3A_622, %swap3A_623] {strides = array<i32>} : memref<32x1000xf32, #tpu.memory_space<vmem>>, vector<16xf32>,
      tpu.vector_store %arg7[%swap3A_622, %swap3A_623], %broadcast_in_dim3A_3 {strides = array<i32>} : memref<32x1000xf32, #tpu.memory_space<vmem>>, vector<16xf32>,
      %swap3A_625 = arith.index_cast %add3A_565 : i32 to index
      %swap3A_626 = arith.constant 320 : index
      %swap3A_627 = tpu.vector_load %arg7[%swap3A_625, %swap3A_626] {strides = array<i32>} : memref<32x1000xf32, #tpu.memory_space<vmem>>, vector<16xf32>,
      tpu.vector_store %arg7[%swap3A_625, %swap3A_626], %broadcast_in_dim3A_3 {strides = array<i32>} : memref<32x1000xf32, #tpu.memory_space<vmem>>, vector<16xf32>,
      %swap3A_628 = arith.index_cast %add3A_565 : i32 to index
      %swap3A_629 = arith.constant 336 : index
      %swap3A_630 = tpu.vector_load %arg7[%swap3A_628, %swap3A_629] {strides = array<i32>} : memref<32x1000xf32, #tpu.memory_space<vmem>>, vector<16xf32>,
      tpu.vector_store %arg7[%swap3A_628, %swap3A_629], %broadcast_in_dim3A_3 {strides = array<i32>} : memref<32x1000xf32, #tpu.memory_space<vmem>>, vector<16xf32>,
      %swap3A_631 = arith.index_cast %add3A_565 : i32 to index
      %swap3A_632 = arith.constant 352 : index
      %swap3A_633 = tpu.vector_load %arg7[%swap3A_631, %swap3A_632] {strides = array<i32>} : memref<32x1000xf32, #tpu.memory_space<vmem>>, vector<16xf32>,
      tpu.vector_store %arg7[%swap3A_631, %swap3A_632], %broadcast_in_dim3A_3 {strides = array<i32>} : memref<32x1000xf32, #tpu.memory_space<vmem>>, vector<16xf32>,
      %swap3A_634 = arith.index_cast %add3A_565 : i32 to index
      %swap3A_635 = arith.constant 368 : index
      %swap3A_636 = tpu.vector_load %arg7[%swap3A_634, %swap3A_635] {strides = array<i32>} : memref<32x1000xf32, #tpu.memory_space<vmem>>, vector<16xf32>,
      tpu.vector_store %arg7[%swap3A_634, %swap3A_635], %broadcast_in_dim3A_3 {strides = array<i32>} : memref<32x1000xf32, #tpu.memory_space<vmem>>, vector<16xf32>,
      %swap3A_637 = arith.index_cast %add3A_565 : i32 to index
      %swap3A_638 = arith.constant 384 : index
      %swap3A_639 = tpu.vector_load %arg7[%swap3A_637, %swap3A_638] {strides = array<i32>} : memref<32x1000xf32, #tpu.memory_space<vmem>>, vector<16xf32>,
      tpu.vector_store %arg7[%swap3A_637, %swap3A_638], %broadcast_in_dim3A_3 {strides = array<i32>} : memref<32x1000xf32, #tpu.memory_space<vmem>>, vector<16xf32>,
      %swap3A_640 = arith.index_cast %add3A_565 : i32 to index
      %swap3A_641 = arith.constant 400 : index
      %swap3A_642 = tpu.vector_load %arg7[%swap3A_640, %swap3A_641] {strides = array<i32>} : memref<32x1000xf32, #tpu.memory_space<vmem>>, vector<16xf32>,
      tpu.vector_store %arg7[%swap3A_640, %swap3A_641], %broadcast_in_dim3A_3 {strides = array<i32>} : memref<32x1000xf32, #tpu.memory_space<vmem>>, vector<16xf32>,
      %swap3A_643 = arith.index_cast %add3A_565 : i32 to index
      %swap3A_644 = arith.constant 416 : index
      %swap3A_645 = tpu.vector_load %arg7[%swap3A_643, %swap3A_644] {strides = array<i32>} : memref<32x1000xf32, #tpu.memory_space<vmem>>, vector<16xf32>,
      tpu.vector_store %arg7[%swap3A_643, %swap3A_644], %broadcast_in_dim3A_3 {strides = array<i32>} : memref<32x1000xf32, #tpu.memory_space<vmem>>, vector<16xf32>,
      %swap3A_646 = arith.index_cast %add3A_565 : i32 to index
      %swap3A_647 = arith.constant 432 : index
      %swap3A_648 = tpu.vector_load %arg7[%swap3A_646, %swap3A_647] {strides = array<i32>} : memref<32x1000xf32, #tpu.memory_space<vmem>>, vector<16xf32>,
      tpu.vector_store %arg7[%swap3A_646, %swap3A_647], %broadcast_in_dim3A_3 {strides = array<i32>} : memref<32x1000xf32, #tpu.memory_space<vmem>>, vector<16xf32>,
      %swap3A_649 = arith.index_cast %add3A_565 : i32 to index
      %swap3A_650 = arith.constant 448 : index
      %swap3A_651 = tpu.vector_load %arg7[%swap3A_649, %swap3A_650] {strides = array<i32>} : memref<32x1000xf32, #tpu.memory_space<vmem>>, vector<16xf32>,
      tpu.vector_store %arg7[%swap3A_649, %swap3A_650], %broadcast_in_dim3A_3 {strides = array<i32>} : memref<32x1000xf32, #tpu.memory_space<vmem>>, vector<16xf32>,
      %swap3A_652 = arith.index_cast %add3A_565 : i32 to index
      %swap3A_653 = arith.constant 464 : index
      %swap3A_654 = tpu.vector_load %arg7[%swap3A_652, %swap3A_653] {strides = array<i32>} : memref<32x1000xf32, #tpu.memory_space<vmem>>, vector<16xf32>,
      tpu.vector_store %arg7[%swap3A_652, %swap3A_653], %broadcast_in_dim3A_3 {strides = array<i32>} : memref<32x1000xf32, #tpu.memory_space<vmem>>, vector<16xf32>,
      %swap3A_655 = arith.index_cast %add3A_565 : i32 to index
      %swap3A_656 = arith.constant 480 : index
      %swap3A_657 = tpu.vector_load %arg7[%swap3A_655, %swap3A_656] {strides = array<i32>} : memref<32x1000xf32, #tpu.memory_space<vmem>>, vector<16xf32>,
      tpu.vector_store %arg7[%swap3A_655, %swap3A_656], %broadcast_in_dim3A_3 {strides = array<i32>} : memref<32x1000xf32, #tpu.memory_space<vmem>>, vector<16xf32>,
      %swap3A_658 = arith.index_cast %add3A_565 : i32 to index
      %swap3A_659 = arith.constant 496 : index
      %swap3A_660 = tpu.vector_load %arg7[%swap3A_658, %swap3A_659] {strides = array<i32>} : memref<32x1000xf32, #tpu.memory_space<vmem>>, vector<16xf32>,
      tpu.vector_store %arg7[%swap3A_658, %swap3A_659], %broadcast_in_dim3A_3 {strides = array<i32>} : memref<32x1000xf32, #tpu.memory_space<vmem>>, vector<16xf32>,
      %swap3A_661 = arith.index_cast %add3A_565 : i32 to index
      %swap3A_662 = arith.constant 512 : index
      %swap3A_663 = tpu.vector_load %arg7[%swap3A_661, %swap3A_662] {strides = array<i32>} : memref<32x1000xf32, #tpu.memory_space<vmem>>, vector<16xf32>,
      tpu.vector_store %arg7[%swap3A_661, %swap3A_662], %broadcast_in_dim3A_3 {strides = array<i32>} : memref<32x1000xf32, #tpu.memory_space<vmem>>, vector<16xf32>,
      %swap3A_664 = arith.index_cast %add3A_565 : i32 to index
      %swap3A_665 = arith.constant 528 : index
      %swap3A_666 = tpu.vector_load %arg7[%swap3A_664, %swap3A_665] {strides = array<i32>} : memref<32x1000xf32, #tpu.memory_space<vmem>>, vector<16xf32>,
      tpu.vector_store %arg7[%swap3A_664, %swap3A_665], %broadcast_in_dim3A_3 {strides = array<i32>} : memref<32x1000xf32, #tpu.memory_space<vmem>>, vector<16xf32>,
      %swap3A_667 = arith.index_cast %add3A_565 : i32 to index
      %swap3A_668 = arith.constant 544 : index
      %swap3A_669 = tpu.vector_load %arg7[%swap3A_667, %swap3A_668] {strides = array<i32>} : memref<32x1000xf32, #tpu.memory_space<vmem>>, vector<16xf32>,
      tpu.vector_store %arg7[%swap3A_667, %swap3A_668], %broadcast_in_dim3A_3 {strides = array<i32>} : memref<32x1000xf32, #tpu.memory_space<vmem>>, vector<16xf32>,
      %swap3A_670 = arith.index_cast %add3A_565 : i32 to index
      %swap3A_671 = arith.constant 560 : index
      %swap3A_672 = tpu.vector_load %arg7[%swap3A_670, %swap3A_671] {strides = array<i32>} : memref<32x1000xf32, #tpu.memory_space<vmem>>, vector<16xf32>,
      tpu.vector_store %arg7[%swap3A_670, %swap3A_671], %broadcast_in_dim3A_3 {strides = array<i32>} : memref<32x1000xf32, #tpu.memory_space<vmem>>, vector<16xf32>,
      %swap3A_673 = arith.index_cast %add3A_565 : i32 to index
      %swap3A_674 = arith.constant 576 : index
      %swap3A_675 = tpu.vector_load %arg7[%swap3A_673, %swap3A_674] {strides = array<i32>} : memref<32x1000xf32, #tpu.memory_space<vmem>>, vector<16xf32>,
      tpu.vector_store %arg7[%swap3A_673, %swap3A_674], %broadcast_in_dim3A_3 {strides = array<i32>} : memref<32x1000xf32, #tpu.memory_space<vmem>>, vector<16xf32>,
      %swap3A_676 = arith.index_cast %add3A_565 : i32 to index
      %swap3A_677 = arith.constant 592 : index
      %swap3A_678 = tpu.vector_load %arg7[%swap3A_676, %swap3A_677] {strides = array<i32>} : memref<32x1000xf32, #tpu.memory_space<vmem>>, vector<16xf32>,
      tpu.vector_store %arg7[%swap3A_676, %swap3A_677], %broadcast_in_dim3A_3 {strides = array<i32>} : memref<32x1000xf32, #tpu.memory_space<vmem>>, vector<16xf32>,
      %swap3A_679 = arith.index_cast %add3A_565 : i32 to index
      %swap3A_680 = arith.constant 608 : index
      %swap3A_681 = tpu.vector_load %arg7[%swap3A_679, %swap3A_680] {strides = array<i32>} : memref<32x1000xf32, #tpu.memory_space<vmem>>, vector<16xf32>,
      tpu.vector_store %arg7[%swap3A_679, %swap3A_680], %broadcast_in_dim3A_3 {strides = array<i32>} : memref<32x1000xf32, #tpu.memory_space<vmem>>, vector<16xf32>,
      %swap3A_682 = arith.index_cast %add3A_565 : i32 to index
      %swap3A_683 = arith.constant 624 : index
      %swap3A_684 = tpu.vector_load %arg7[%swap3A_682, %swap3A_683] {strides = array<i32>} : memref<32x1000xf32, #tpu.memory_space<vmem>>, vector<16xf32>,
      tpu.vector_store %arg7[%swap3A_682, %swap3A_683], %broadcast_in_dim3A_3 {strides = array<i32>} : memref<32x1000xf32, #tpu.memory_space<vmem>>, vector<16xf32>,
      %swap3A_685 = arith.index_cast %add3A_565 : i32 to index
      %swap3A_686 = arith.constant 640 : index
      %swap3A_687 = tpu.vector_load %arg7[%swap3A_685, %swap3A_686] {strides = array<i32>} : memref<32x1000xf32, #tpu.memory_space<vmem>>, vector<16xf32>,
      tpu.vector_store %arg7[%swap3A_685, %swap3A_686], %broadcast_in_dim3A_3 {strides = array<i32>} : memref<32x1000xf32, #tpu.memory_space<vmem>>, vector<16xf32>,
      %swap3A_688 = arith.index_cast %add3A_565 : i32 to index
      %swap3A_689 = arith.constant 656 : index
      %swap3A_690 = tpu.vector_load %arg7[%swap3A_688, %swap3A_689] {strides = array<i32>} : memref<32x1000xf32, #tpu.memory_space<vmem>>, vector<16xf32>,
      tpu.vector_store %arg7[%swap3A_688, %swap3A_689], %broadcast_in_dim3A_3 {strides = array<i32>} : memref<32x1000xf32, #tpu.memory_space<vmem>>, vector<16xf32>,
      %swap3A_691 = arith.index_cast %add3A_565 : i32 to index
      %swap3A_692 = arith.constant 672 : index
      %swap3A_693 = tpu.vector_load %arg7[%swap3A_691, %swap3A_692] {strides = array<i32>} : memref<32x1000xf32, #tpu.memory_space<vmem>>, vector<16xf32>,
      tpu.vector_store %arg7[%swap3A_691, %swap3A_692], %broadcast_in_dim3A_3 {strides = array<i32>} : memref<32x1000xf32, #tpu.memory_space<vmem>>, vector<16xf32>,
      %swap3A_694 = arith.index_cast %add3A_565 : i32 to index
      %swap3A_695 = arith.constant 688 : index
      %swap3A_696 = tpu.vector_load %arg7[%swap3A_694, %swap3A_695] {strides = array<i32>} : memref<32x1000xf32, #tpu.memory_space<vmem>>, vector<16xf32>,
      tpu.vector_store %arg7[%swap3A_694, %swap3A_695], %broadcast_in_dim3A_3 {strides = array<i32>} : memref<32x1000xf32, #tpu.memory_space<vmem>>, vector<16xf32>,
      %swap3A_697 = arith.index_cast %add3A_565 : i32 to index
      %swap3A_698 = arith.constant 704 : index
      %swap3A_699 = tpu.vector_load %arg7[%swap3A_697, %swap3A_698] {strides = array<i32>} : memref<32x1000xf32, #tpu.memory_space<vmem>>, vector<16xf32>,
      tpu.vector_store %arg7[%swap3A_697, %swap3A_698], %broadcast_in_dim3A_3 {strides = array<i32>} : memref<32x1000xf32, #tpu.memory_space<vmem>>, vector<16xf32>,
      %swap3A_700 = arith.index_cast %add3A_565 : i32 to index
      %swap3A_701 = arith.constant 720 : index
      %swap3A_702 = tpu.vector_load %arg7[%swap3A_700, %swap3A_701] {strides = array<i32>} : memref<32x1000xf32, #tpu.memory_space<vmem>>, vector<16xf32>,
      tpu.vector_store %arg7[%swap3A_700, %swap3A_701], %broadcast_in_dim3A_3 {strides = array<i32>} : memref<32x1000xf32, #tpu.memory_space<vmem>>, vector<16xf32>,
      %swap3A_703 = arith.index_cast %add3A_565 : i32 to index
      %swap3A_704 = arith.constant 736 : index
      %swap3A_705 = tpu.vector_load %arg7[%swap3A_703, %swap3A_704] {strides = array<i32>} : memref<32x1000xf32, #tpu.memory_space<vmem>>, vector<16xf32>,
      tpu.vector_store %arg7[%swap3A_703, %swap3A_704], %broadcast_in_dim3A_3 {strides = array<i32>} : memref<32x1000xf32, #tpu.memory_space<vmem>>, vector<16xf32>,
      %swap3A_706 = arith.index_cast %add3A_565 : i32 to index
      %swap3A_707 = arith.constant 752 : index
      %swap3A_708 = tpu.vector_load %arg7[%swap3A_706, %swap3A_707] {strides = array<i32>} : memref<32x1000xf32, #tpu.memory_space<vmem>>, vector<16xf32>,
      tpu.vector_store %arg7[%swap3A_706, %swap3A_707], %broadcast_in_dim3A_3 {strides = array<i32>} : memref<32x1000xf32, #tpu.memory_space<vmem>>, vector<16xf32>,
      %swap3A_709 = arith.index_cast %add3A_565 : i32 to index
      %swap3A_710 = arith.constant 768 : index
      %swap3A_711 = tpu.vector_load %arg7[%swap3A_709, %swap3A_710] {strides = array<i32>} : memref<32x1000xf32, #tpu.memory_space<vmem>>, vector<16xf32>,
      tpu.vector_store %arg7[%swap3A_709, %swap3A_710], %broadcast_in_dim3A_3 {strides = array<i32>} : memref<32x1000xf32, #tpu.memory_space<vmem>>, vector<16xf32>,
      %swap3A_712 = arith.index_cast %add3A_565 : i32 to index
      %swap3A_713 = arith.constant 784 : index
      %swap3A_714 = tpu.vector_load %arg7[%swap3A_712, %swap3A_713] {strides = array<i32>} : memref<32x1000xf32, #tpu.memory_space<vmem>>, vector<16xf32>,
      tpu.vector_store %arg7[%swap3A_712, %swap3A_713], %broadcast_in_dim3A_3 {strides = array<i32>} : memref<32x1000xf32, #tpu.memory_space<vmem>>, vector<16xf32>,
      %swap3A_715 = arith.index_cast %add3A_565 : i32 to index
      %swap3A_716 = arith.constant 800 : index
      %swap3A_717 = tpu.vector_load %arg7[%swap3A_715, %swap3A_716] {strides = array<i32>} : memref<32x1000xf32, #tpu.memory_space<vmem>>, vector<16xf32>,
      tpu.vector_store %arg7[%swap3A_715, %swap3A_716], %broadcast_in_dim3A_3 {strides = array<i32>} : memref<32x1000xf32, #tpu.memory_space<vmem>>, vector<16xf32>,
      %swap3A_718 = arith.index_cast %add3A_565 : i32 to index
      %swap3A_719 = arith.constant 816 : index
      %swap3A_720 = tpu.vector_load %arg7[%swap3A_718, %swap3A_719] {strides = array<i32>} : memref<32x1000xf32, #tpu.memory_space<vmem>>, vector<16xf32>,
      tpu.vector_store %arg7[%swap3A_718, %swap3A_719], %broadcast_in_dim3A_3 {strides = array<i32>} : memref<32x1000xf32, #tpu.memory_space<vmem>>, vector<16xf32>,
      %swap3A_721 = arith.index_cast %add3A_565 : i32 to index
      %swap3A_722 = arith.constant 832 : index
      %swap3A_723 = tpu.vector_load %arg7[%swap3A_721, %swap3A_722] {strides = array<i32>} : memref<32x1000xf32, #tpu.memory_space<vmem>>, vector<16xf32>,
      tpu.vector_store %arg7[%swap3A_721, %swap3A_722], %broadcast_in_dim3A_3 {strides = array<i32>} : memref<32x1000xf32, #tpu.memory_space<vmem>>, vector<16xf32>,
      %swap3A_724 = arith.index_cast %add3A_565 : i32 to index
      %swap3A_725 = arith.constant 848 : index
      %swap3A_726 = tpu.vector_load %arg7[%swap3A_724, %swap3A_725] {strides = array<i32>} : memref<32x1000xf32, #tpu.memory_space<vmem>>, vector<16xf32>,
      tpu.vector_store %arg7[%swap3A_724, %swap3A_725], %broadcast_in_dim3A_3 {strides = array<i32>} : memref<32x1000xf32, #tpu.memory_space<vmem>>, vector<16xf32>,
      %swap3A_727 = arith.index_cast %add3A_565 : i32 to index
      %swap3A_728 = arith.constant 864 : index
      %swap3A_729 = tpu.vector_load %arg7[%swap3A_727, %swap3A_728] {strides = array<i32>} : memref<32x1000xf32, #tpu.memory_space<vmem>>, vector<16xf32>,
      tpu.vector_store %arg7[%swap3A_727, %swap3A_728], %broadcast_in_dim3A_3 {strides = array<i32>} : memref<32x1000xf32, #tpu.memory_space<vmem>>, vector<16xf32>,
      %swap3A_730 = arith.index_cast %add3A_565 : i32 to index
      %swap3A_731 = arith.constant 880 : index
      %swap3A_732 = tpu.vector_load %arg7[%swap3A_730, %swap3A_731] {strides = array<i32>} : memref<32x1000xf32, #tpu.memory_space<vmem>>, vector<16xf32>,
      tpu.vector_store %arg7[%swap3A_730, %swap3A_731], %broadcast_in_dim3A_3 {strides = array<i32>} : memref<32x1000xf32, #tpu.memory_space<vmem>>, vector<16xf32>,
      %swap3A_733 = arith.index_cast %add3A_565 : i32 to index
      %swap3A_734 = arith.constant 896 : index
      %swap3A_735 = tpu.vector_load %arg7[%swap3A_733, %swap3A_734] {strides = array<i32>} : memref<32x1000xf32, #tpu.memory_space<vmem>>, vector<16xf32>,
      tpu.vector_store %arg7[%swap3A_733, %swap3A_734], %broadcast_in_dim3A_3 {strides = array<i32>} : memref<32x1000xf32, #tpu.memory_space<vmem>>, vector<16xf32>,
      %swap3A_736 = arith.index_cast %add3A_565 : i32 to index
      %swap3A_737 = arith.constant 912 : index
      %swap3A_738 = tpu.vector_load %arg7[%swap3A_736, %swap3A_737] {strides = array<i32>} : memref<32x1000xf32, #tpu.memory_space<vmem>>, vector<16xf32>,
      tpu.vector_store %arg7[%swap3A_736, %swap3A_737], %broadcast_in_dim3A_3 {strides = array<i32>} : memref<32x1000xf32, #tpu.memory_space<vmem>>, vector<16xf32>,
      %swap3A_739 = arith.index_cast %add3A_565 : i32 to index
      %swap3A_740 = arith.constant 928 : index
      %swap3A_741 = tpu.vector_load %arg7[%swap3A_739, %swap3A_740] {strides = array<i32>} : memref<32x1000xf32, #tpu.memory_space<vmem>>, vector<16xf32>,
      tpu.vector_store %arg7[%swap3A_739, %swap3A_740], %broadcast_in_dim3A_3 {strides = array<i32>} : memref<32x1000xf32, #tpu.memory_space<vmem>>, vector<16xf32>,
      %swap3A_742 = arith.index_cast %add3A_565 : i32 to index
      %swap3A_743 = arith.constant 944 : index
      %swap3A_744 = tpu.vector_load %arg7[%swap3A_742, %swap3A_743] {strides = array<i32>} : memref<32x1000xf32, #tpu.memory_space<vmem>>, vector<16xf32>,
      tpu.vector_store %arg7[%swap3A_742, %swap3A_743], %broadcast_in_dim3A_3 {strides = array<i32>} : memref<32x1000xf32, #tpu.memory_space<vmem>>, vector<16xf32>,
      %swap3A_745 = arith.index_cast %add3A_565 : i32 to index
      %swap3A_746 = arith.constant 960 : index
      %swap3A_747 = tpu.vector_load %arg7[%swap3A_745, %swap3A_746] {strides = array<i32>} : memref<32x1000xf32, #tpu.memory_space<vmem>>, vector<16xf32>,
      tpu.vector_store %arg7[%swap3A_745, %swap3A_746], %broadcast_in_dim3A_3 {strides = array<i32>} : memref<32x1000xf32, #tpu.memory_space<vmem>>, vector<16xf32>,
      %swap3A_748 = arith.index_cast %add3A_565 : i32 to index
      %swap3A_749 = arith.constant 976 : index
      %swap3A_750 = tpu.vector_load %arg7[%swap3A_748, %swap3A_749] {strides = array<i32>} : memref<32x1000xf32, #tpu.memory_space<vmem>>, vector<16xf32>,
      tpu.vector_store %arg7[%swap3A_748, %swap3A_749], %broadcast_in_dim3A_3 {strides = array<i32>} : memref<32x1000xf32, #tpu.memory_space<vmem>>, vector<16xf32>,
      %swap3A_751 = arith.index_cast %add3A_565 : i32 to index
      %swap3A_752 = arith.constant 984 : index
      %swap3A_753 = tpu.vector_load %arg7[%swap3A_751, %swap3A_752] {strides = array<i32>} : memref<32x1000xf32, #tpu.memory_space<vmem>>, vector<16xf32>,
      tpu.vector_store %arg7[%swap3A_751, %swap3A_752], %broadcast_in_dim3A_3 {strides = array<i32>} : memref<32x1000xf32, #tpu.memory_space<vmem>>, vector<16xf32>,
    }
    %scan3A_65 = arith.constant 32 : i32
    %get3A_66 = arith.constant 64 : index
    %get3A_67 = tpu.vector_load %arg4[%get3A_66] {strides = array<i32>} : memref<512xi32, #tpu.memory_space<vmem>>, vector<16xi32>,
    %add3A_68 = arith.constant 0 : i32
    %add3A_69 = vector.broadcast %add3A_68 : i32 to vector<16xi32>
    %add3A_70 = arith.addi %iota3A, %add3A_69 : vector<16xi32>
    tpu.vector_store_idx %arg7[%add3A_70, %get3A_67], %broadcast_in_dim3A_5 : memref<32x1000xf32, #tpu.memory_space<vmem>>[vector<16xi32>, vector<16xi32>], vector<16xf32>,
    %get3A_71 = arith.constant 80 : index
    %get3A_72 = tpu.vector_load %arg4[%get3A_71] {strides = array<i32>} : memref<512xi32, #tpu.memory_space<vmem>>, vector<16xi32>,
    %add3A_73 = arith.constant 16 : i32
    %add3A_74 = vector.broadcast %add3A_73 : i32 to vector<16xi32>
    %add3A_75 = arith.addi %iota3A, %add3A_74 : vector<16xi32>
    tpu.vector_store_idx %arg7[%add3A_75, %get3A_72], %broadcast_in_dim3A_5 : memref<32x1000xf32, #tpu.memory_space<vmem>>[vector<16xi32>, vector<16xi32>], vector<16xf32>,
    %add3A_76 = arith.constant 64 : i32
    %add3A_77 = arith.addi %mul3A_2, %add3A_76 : i32
    %add3A_78 = arith.constant 0 : i32
    %add3A_79 = arith.addi %add3A_77, %add3A_78 : i32
    %dma_start3A_80 = arith.constant 0 : i32
    %dma_start3A_81 = arith.constant 0 : i32
    %dma_start3A_82 = tpu.memref_slice %arg7[%dma_start3A_80, %dma_start3A_81] : memref<32x1000xf32, #tpu.memory_space<vmem>> -> memref<32x1000xf32, #tpu.memory_space<vmem>>
    %dma_start3A_83 = arith.constant 0 : i32
    %dma_start3A_84 = tpu.memref_slice %arg3[%add3A_79, %dma_start3A_83] : memref<16384x1000xf32, #tpu.memory_space<hbm>> -> memref<32x1000xf32, #tpu.memory_space<hbm>>
    %dma_start3A_85 = arith.constant 0 : i32
    %dma_start3A_86 = tpu.memref_slice %arg3[%add3A_79, %dma_start3A_85] : memref<16384x1000xf32, #tpu.memory_space<hbm>> -> memref<32x1000xf32, #tpu.memory_space<hbm>>
    %dma_start3A_87 = arith.constant 0 : i32
    %dma_start3A_88 = arith.constant 0 : i32
    %dma_start3A_89 = tpu.memref_slice %arg7[%dma_start3A_87, %dma_start3A_88] : memref<32x1000xf32, #tpu.memory_space<vmem>> -> memref<32x1000xf32, #tpu.memory_space<vmem>>
    tpu.enqueue_dma source(%dma_start3A_89 : memref<32x1000xf32, #tpu.memory_space<vmem>>) target(%dma_start3A_86 : memref<32x1000xf32, #tpu.memory_space<hbm>>) target_semaphore(%arg10 : memref<!tpu.dma_semaphore, #tpu.memory_space<semaphore_mem>>)
    %dma_wait3A = arith.constant 0 : i32
    %dma_wait3A_90 = arith.constant 0 : i32
    %dma_wait3A_91 = tpu.memref_slice %arg5[%dma_wait3A, %dma_wait3A_90] : memref<32x1000xf32, #tpu.memory_space<vmem>> -> memref<32x1000xf32, #tpu.memory_space<vmem>>
    %dma_wait3A_92 = arith.constant 0 : i32
    %dma_wait3A_93 = tpu.memref_slice %arg3[%add3A_22, %dma_wait3A_92] : memref<16384x1000xf32, #tpu.memory_space<hbm>> -> memref<32x1000xf32, #tpu.memory_space<hbm>>
    %dma_wait3A_94 = arith.constant 0 : i32
    %dma_wait3A_95 = tpu.memref_slice %arg3[%add3A_22, %dma_wait3A_94] : memref<16384x1000xf32, #tpu.memory_space<hbm>> -> memref<32x1000xf32, #tpu.memory_space<hbm>>
    %dma_wait3A_96 = arith.constant 0 : i32
    %dma_wait3A_97 = arith.constant 0 : i32
    %dma_wait3A_98 = tpu.memref_slice %arg5[%dma_wait3A_96, %dma_wait3A_97] : memref<32x1000xf32, #tpu.memory_space<vmem>> -> memref<32x1000xf32, #tpu.memory_space<vmem>>
    tpu.wait_dma2 semaphore(%arg8 : memref<!tpu.dma_semaphore, #tpu.memory_space<semaphore_mem>>) src(%dma_wait3A_98 : memref<32x1000xf32, #tpu.memory_space<vmem>>) dst(%dma_wait3A_95 : memref<32x1000xf32, #tpu.memory_space<hbm>>)
    tpu.vector_store_idx %arg5[%add3A_13, %get3A_10], %broadcast_in_dim3A_3 : memref<32x1000xf32, #tpu.memory_space<vmem>>[vector<16xi32>, vector<16xi32>], vector<16xf32>,
    tpu.vector_store_idx %arg5[%add3A_18, %get3A_15], %broadcast_in_dim3A_3 : memref<32x1000xf32, #tpu.memory_space<vmem>>[vector<16xi32>, vector<16xi32>], vector<16xf32>,
    %get3A_99 = arith.constant 96 : index
    %get3A_100 = tpu.vector_load %arg4[%get3A_99] {strides = array<i32>} : memref<512xi32, #tpu.memory_space<vmem>>, vector<16xi32>,
    %add3A_101 = arith.constant 0 : i32
    %add3A_102 = vector.broadcast %add3A_101 : i32 to vector<16xi32>
    %add3A_103 = arith.addi %iota3A, %add3A_102 : vector<16xi32>
    tpu.vector_store_idx %arg5[%add3A_103, %get3A_100], %broadcast_in_dim3A_5 : memref<32x1000xf32, #tpu.memory_space<vmem>>[vector<16xi32>, vector<16xi32>], vector<16xf32>,
    %get3A_104 = arith.constant 112 : index
    %get3A_105 = tpu.vector_load %arg4[%get3A_104] {strides = array<i32>} : memref<512xi32, #tpu.memory_space<vmem>>, vector<16xi32>,
    %add3A_106 = arith.constant 16 : i32
    %add3A_107 = vector.broadcast %add3A_106 : i32 to vector<16xi32>
    %add3A_108 = arith.addi %iota3A, %add3A_107 : vector<16xi32>
    tpu.vector_store_idx %arg5[%add3A_108, %get3A_105], %broadcast_in_dim3A_5 : memref<32x1000xf32, #tpu.memory_space<vmem>>[vector<16xi32>, vector<16xi32>], vector<16xf32>,
    %add3A_109 = arith.constant 96 : i32
    %add3A_110 = arith.addi %mul3A_2, %add3A_109 : i32
    %add3A_111 = arith.constant 0 : i32
    %add3A_112 = arith.addi %add3A_110, %add3A_111 : i32
    %dma_start3A_113 = arith.constant 0 : i32
    %dma_start3A_114 = arith.constant 0 : i32
    %dma_start3A_115 = tpu.memref_slice %arg5[%dma_start3A_113, %dma_start3A_114] : memref<32x1000xf32, #tpu.memory_space<vmem>> -> memref<32x1000xf32, #tpu.memory_space<vmem>>
    %dma_start3A_116 = arith.constant 0 : i32
    %dma_start3A_117 = tpu.memref_slice %arg3[%add3A_112, %dma_start3A_116] : memref<16384x1000xf32, #tpu.memory_space<hbm>> -> memref<32x1000xf32, #tpu.memory_space<hbm>>
    %dma_start3A_118 = arith.constant 0 : i32
    %dma_start3A_119 = tpu.memref_slice %arg3[%add3A_112, %dma_start3A_118] : memref<16384x1000xf32, #tpu.memory_space<hbm>> -> memref<32x1000xf32, #tpu.memory_space<hbm>>
    %dma_start3A_120 = arith.constant 0 : i32
    %dma_start3A_121 = arith.constant 0 : i32
    %dma_start3A_122 = tpu.memref_slice %arg5[%dma_start3A_120, %dma_start3A_121] : memref<32x1000xf32, #tpu.memory_space<vmem>> -> memref<32x1000xf32, #tpu.memory_space<vmem>>
    tpu.enqueue_dma source(%dma_start3A_122 : memref<32x1000xf32, #tpu.memory_space<vmem>>) target(%dma_start3A_119 : memref<32x1000xf32, #tpu.memory_space<hbm>>) target_semaphore(%arg8 : memref<!tpu.dma_semaphore, #tpu.memory_space<semaphore_mem>>)
    %dma_wait3A_123 = arith.constant 0 : i32
    %dma_wait3A_124 = arith.constant 0 : i32
    %dma_wait3A_125 = tpu.memref_slice %arg6[%dma_wait3A_123, %dma_wait3A_124] : memref<32x1000xf32, #tpu.memory_space<vmem>> -> memref<32x1000xf32, #tpu.memory_space<vmem>>
    %dma_wait3A_126 = arith.constant 0 : i32
    %dma_wait3A_127 = tpu.memref_slice %arg3[%add3A_50, %dma_wait3A_126] : memref<16384x1000xf32, #tpu.memory_space<hbm>> -> memref<32x1000xf32, #tpu.memory_space<hbm>>
    %dma_wait3A_128 = arith.constant 0 : i32
    %dma_wait3A_129 = tpu.memref_slice %arg3[%add3A_50, %dma_wait3A_128] : memref<16384x1000xf32, #tpu.memory_space<hbm>> -> memref<32x1000xf32, #tpu.memory_space<hbm>>
    %dma_wait3A_130 = arith.constant 0 : i32
    %dma_wait3A_131 = arith.constant 0 : i32
    %dma_wait3A_132 = tpu.memref_slice %arg6[%dma_wait3A_130, %dma_wait3A_131] : memref<32x1000xf32, #tpu.memory_space<vmem>> -> memref<32x1000xf32, #tpu.memory_space<vmem>>
    tpu.wait_dma2 semaphore(%arg9 : memref<!tpu.dma_semaphore, #tpu.memory_space<semaphore_mem>>) src(%dma_wait3A_132 : memref<32x1000xf32, #tpu.memory_space<vmem>>) dst(%dma_wait3A_129 : memref<32x1000xf32, #tpu.memory_space<hbm>>)
    tpu.vector_store_idx %arg6[%add3A_41, %get3A_38], %broadcast_in_dim3A_3 : memref<32x1000xf32, #tpu.memory_space<vmem>>[vector<16xi32>, vector<16xi32>], vector<16xf32>,
    tpu.vector_store_idx %arg6[%add3A_46, %get3A_43], %broadcast_in_dim3A_3 : memref<32x1000xf32, #tpu.memory_space<vmem>>[vector<16xi32>, vector<16xi32>], vector<16xf32>,
    %get3A_133 = arith.constant 128 : index
    %get3A_134 = tpu.vector_load %arg4[%get3A_133] {strides = array<i32>} : memref<512xi32, #tpu.memory_space<vmem>>, vector<16xi32>,
    %add3A_135 = arith.constant 0 : i32
    %add3A_136 = vector.broadcast %add3A_135 : i32 to vector<16xi32>
    %add3A_137 = arith.addi %iota3A, %add3A_136 : vector<16xi32>
    tpu.vector_store_idx %arg6[%add3A_137, %get3A_134], %broadcast_in_dim3A_5 : memref<32x1000xf32, #tpu.memory_space<vmem>>[vector<16xi32>, vector<16xi32>], vector<16xf32>,
    %get3A_138 = arith.constant 144 : index
    %get3A_139 = tpu.vector_load %arg4[%get3A_138] {strides = array<i32>} : memref<512xi32, #tpu.memory_space<vmem>>, vector<16xi32>,
    %add3A_140 = arith.constant 16 : i32
    %add3A_141 = vector.broadcast %add3A_140 : i32 to vector<16xi32>
    %add3A_142 = arith.addi %iota3A, %add3A_141 : vector<16xi32>
    tpu.vector_store_idx %arg6[%add3A_142, %get3A_139], %broadcast_in_dim3A_5 : memref<32x1000xf32, #tpu.memory_space<vmem>>[vector<16xi32>, vector<16xi32>], vector<16xf32>,
    %add3A_143 = arith.constant 128 : i32
    %add3A_144 = arith.addi %mul3A_2, %add3A_143 : i32
    %add3A_145 = arith.constant 0 : i32
    %add3A_146 = arith.addi %add3A_144, %add3A_145 : i32
    %dma_start3A_147 = arith.constant 0 : i32
    %dma_start3A_148 = arith.constant 0 : i32
    %dma_start3A_149 = tpu.memref_slice %arg6[%dma_start3A_147, %dma_start3A_148] : memref<32x1000xf32, #tpu.memory_space<vmem>> -> memref<32x1000xf32, #tpu.memory_space<vmem>>
    %dma_start3A_150 = arith.constant 0 : i32
    %dma_start3A_151 = tpu.memref_slice %arg3[%add3A_146, %dma_start3A_150] : memref<16384x1000xf32, #tpu.memory_space<hbm>> -> memref<32x1000xf32, #tpu.memory_space<hbm>>
    %dma_start3A_152 = arith.constant 0 : i32
    %dma_start3A_153 = tpu.memref_slice %arg3[%add3A_146, %dma_start3A_152] : memref<16384x1000xf32, #tpu.memory_space<hbm>> -> memref<32x1000xf32, #tpu.memory_space<hbm>>
    %dma_start3A_154 = arith.constant 0 : i32
    %dma_start3A_155 = arith.constant 0 : i32
    %dma_start3A_156 = tpu.memref_slice %arg6[%dma_start3A_154, %dma_start3A_155] : memref<32x1000xf32, #tpu.memory_space<vmem>> -> memref<32x1000xf32, #tpu.memory_space<vmem>>
    tpu.enqueue_dma source(%dma_start3A_156 : memref<32x1000xf32, #tpu.memory_space<vmem>>) target(%dma_start3A_153 : memref<32x1000xf32, #tpu.memory_space<hbm>>) target_semaphore(%arg9 : memref<!tpu.dma_semaphore, #tpu.memory_space<semaphore_mem>>)
    %dma_wait3A_157 = arith.constant 0 : i32
    %dma_wait3A_158 = arith.constant 0 : i32
    %dma_wait3A_159 = tpu.memref_slice %arg7[%dma_wait3A_157, %dma_wait3A_158] : memref<32x1000xf32, #tpu.memory_space<vmem>> -> memref<32x1000xf32, #tpu.memory_space<vmem>>
    %dma_wait3A_160 = arith.constant 0 : i32
    %dma_wait3A_161 = tpu.memref_slice %arg3[%add3A_79, %dma_wait3A_160] : memref<16384x1000xf32, #tpu.memory_space<hbm>> -> memref<32x1000xf32, #tpu.memory_space<hbm>>
    %dma_wait3A_162 = arith.constant 0 : i32
    %dma_wait3A_163 = tpu.memref_slice %arg3[%add3A_79, %dma_wait3A_162] : memref<16384x1000xf32, #tpu.memory_space<hbm>> -> memref<32x1000xf32, #tpu.memory_space<hbm>>
    %dma_wait3A_164 = arith.constant 0 : i32
    %dma_wait3A_165 = arith.constant 0 : i32
    %dma_wait3A_166 = tpu.memref_slice %arg7[%dma_wait3A_164, %dma_wait3A_165] : memref<32x1000xf32, #tpu.memory_space<vmem>> -> memref<32x1000xf32, #tpu.memory_space<vmem>>
    tpu.wait_dma2 semaphore(%arg10 : memref<!tpu.dma_semaphore, #tpu.memory_space<semaphore_mem>>) src(%dma_wait3A_166 : memref<32x1000xf32, #tpu.memory_space<vmem>>) dst(%dma_wait3A_163 : memref<32x1000xf32, #tpu.memory_space<hbm>>)
    tpu.vector_store_idx %arg7[%add3A_70, %get3A_67], %broadcast_in_dim3A_3 : memref<32x1000xf32, #tpu.memory_space<vmem>>[vector<16xi32>, vector<16xi32>], vector<16xf32>,
    tpu.vector_store_idx %arg7[%add3A_75, %get3A_72], %broadcast_in_dim3A_3 : memref<32x1000xf32, #tpu.memory_space<vmem>>[vector<16xi32>, vector<16xi32>], vector<16xf32>,
    %get3A_167 = arith.constant 160 : index
    %get3A_168 = tpu.vector_load %arg4[%get3A_167] {strides = array<i32>} : memref<512xi32, #tpu.memory_space<vmem>>, vector<16xi32>,
    %add3A_169 = arith.constant 0 : i32
    %add3A_170 = vector.broadcast %add3A_169 : i32 to vector<16xi32>
    %add3A_171 = arith.addi %iota3A, %add3A_170 : vector<16xi32>
    tpu.vector_store_idx %arg7[%add3A_171, %get3A_168], %broadcast_in_dim3A_5 : memref<32x1000xf32, #tpu.memory_space<vmem>>[vector<16xi32>, vector<16xi32>], vector<16xf32>,
    %get3A_172 = arith.constant 176 : index
    %get3A_173 = tpu.vector_load %arg4[%get3A_172] {strides = array<i32>} : memref<512xi32, #tpu.memory_space<vmem>>, vector<16xi32>,
    %add3A_174 = arith.constant 16 : i32
    %add3A_175 = vector.broadcast %add3A_174 : i32 to vector<16xi32>
    %add3A_176 = arith.addi %iota3A, %add3A_175 : vector<16xi32>
    tpu.vector_store_idx %arg7[%add3A_176, %get3A_173], %broadcast_in_dim3A_5 : memref<32x1000xf32, #tpu.memory_space<vmem>>[vector<16xi32>, vector<16xi32>], vector<16xf32>,
    %add3A_177 = arith.constant 160 : i32
    %add3A_178 = arith.addi %mul3A_2, %add3A_177 : i32
    %add3A_179 = arith.constant 0 : i32
    %add3A_180 = arith.addi %add3A_178, %add3A_179 : i32
    %dma_start3A_181 = arith.constant 0 : i32
    %dma_start3A_182 = arith.constant 0 : i32
    %dma_start3A_183 = tpu.memref_slice %arg7[%dma_start3A_181, %dma_start3A_182] : memref<32x1000xf32, #tpu.memory_space<vmem>> -> memref<32x1000xf32, #tpu.memory_space<vmem>>
    %dma_start3A_184 = arith.constant 0 : i32
    %dma_start3A_185 = tpu.memref_slice %arg3[%add3A_180, %dma_start3A_184] : memref<16384x1000xf32, #tpu.memory_space<hbm>> -> memref<32x1000xf32, #tpu.memory_space<hbm>>
    %dma_start3A_186 = arith.constant 0 : i32
    %dma_start3A_187 = tpu.memref_slice %arg3[%add3A_180, %dma_start3A_186] : memref<16384x1000xf32, #tpu.memory_space<hbm>> -> memref<32x1000xf32, #tpu.memory_space<hbm>>
    %dma_start3A_188 = arith.constant 0 : i32
    %dma_start3A_189 = arith.constant 0 : i32
    %dma_start3A_190 = tpu.memref_slice %arg7[%dma_start3A_188, %dma_start3A_189] : memref<32x1000xf32, #tpu.memory_space<vmem>> -> memref<32x1000xf32, #tpu.memory_space<vmem>>
    tpu.enqueue_dma source(%dma_start3A_190 : memref<32x1000xf32, #tpu.memory_space<vmem>>) target(%dma_start3A_187 : memref<32x1000xf32, #tpu.memory_space<hbm>>) target_semaphore(%arg10 : memref<!tpu.dma_semaphore, #tpu.memory_space<semaphore_mem>>)
    %dma_wait3A_191 = arith.constant 0 : i32
    %dma_wait3A_192 = arith.constant 0 : i32
    %dma_wait3A_193 = tpu.memref_slice %arg5[%dma_wait3A_191, %dma_wait3A_192] : memref<32x1000xf32, #tpu.memory_space<vmem>> -> memref<32x1000xf32, #tpu.memory_space<vmem>>
    %dma_wait3A_194 = arith.constant 0 : i32
    %dma_wait3A_195 = tpu.memref_slice %arg3[%add3A_112, %dma_wait3A_194] : memref<16384x1000xf32, #tpu.memory_space<hbm>> -> memref<32x1000xf32, #tpu.memory_space<hbm>>
    %dma_wait3A_196 = arith.constant 0 : i32
    %dma_wait3A_197 = tpu.memref_slice %arg3[%add3A_112, %dma_wait3A_196] : memref<16384x1000xf32, #tpu.memory_space<hbm>> -> memref<32x1000xf32, #tpu.memory_space<hbm>>
    %dma_wait3A_198 = arith.constant 0 : i32
    %dma_wait3A_199 = arith.constant 0 : i32
    %dma_wait3A_200 = tpu.memref_slice %arg5[%dma_wait3A_198, %dma_wait3A_199] : memref<32x1000xf32, #tpu.memory_space<vmem>> -> memref<32x1000xf32, #tpu.memory_space<vmem>>
    tpu.wait_dma2 semaphore(%arg8 : memref<!tpu.dma_semaphore, #tpu.memory_space<semaphore_mem>>) src(%dma_wait3A_200 : memref<32x1000xf32, #tpu.memory_space<vmem>>) dst(%dma_wait3A_197 : memref<32x1000xf32, #tpu.memory_space<hbm>>)
    tpu.vector_store_idx %arg5[%add3A_103, %get3A_100], %broadcast_in_dim3A_3 : memref<32x1000xf32, #tpu.memory_space<vmem>>[vector<16xi32>, vector<16xi32>], vector<16xf32>,
    tpu.vector_store_idx %arg5[%add3A_108, %get3A_105], %broadcast_in_dim3A_3 : memref<32x1000xf32, #tpu.memory_space<vmem>>[vector<16xi32>, vector<16xi32>], vector<16xf32>,
    %get3A_201 = arith.constant 192 : index
    %get3A_202 = tpu.vector_load %arg4[%get3A_201] {strides = array<i32>} : memref<512xi32, #tpu.memory_space<vmem>>, vector<16xi32>,
    %add3A_203 = arith.constant 0 : i32
    %add3A_204 = vector.broadcast %add3A_203 : i32 to vector<16xi32>
    %add3A_205 = arith.addi %iota3A, %add3A_204 : vector<16xi32>
    tpu.vector_store_idx %arg5[%add3A_205, %get3A_202], %broadcast_in_dim3A_5 : memref<32x1000xf32, #tpu.memory_space<vmem>>[vector<16xi32>, vector<16xi32>], vector<16xf32>,
    %get3A_206 = arith.constant 208 : index
    %get3A_207 = tpu.vector_load %arg4[%get3A_206] {strides = array<i32>} : memref<512xi32, #tpu.memory_space<vmem>>, vector<16xi32>,
    %add3A_208 = arith.constant 16 : i32
    %add3A_209 = vector.broadcast %add3A_208 : i32 to vector<16xi32>
    %add3A_210 = arith.addi %iota3A, %add3A_209 : vector<16xi32>
    tpu.vector_store_idx %arg5[%add3A_210, %get3A_207], %broadcast_in_dim3A_5 : memref<32x1000xf32, #tpu.memory_space<vmem>>[vector<16xi32>, vector<16xi32>], vector<16xf32>,
    %add3A_211 = arith.constant 192 : i32
    %add3A_212 = arith.addi %mul3A_2, %add3A_211 : i32
    %add3A_213 = arith.constant 0 : i32
    %add3A_214 = arith.addi %add3A_212, %add3A_213 : i32
    %dma_start3A_215 = arith.constant 0 : i32
    %dma_start3A_216 = arith.constant 0 : i32
    %dma_start3A_217 = tpu.memref_slice %arg5[%dma_start3A_215, %dma_start3A_216] : memref<32x1000xf32, #tpu.memory_space<vmem>> -> memref<32x1000xf32, #tpu.memory_space<vmem>>
    %dma_start3A_218 = arith.constant 0 : i32
    %dma_start3A_219 = tpu.memref_slice %arg3[%add3A_214, %dma_start3A_218] : memref<16384x1000xf32, #tpu.memory_space<hbm>> -> memref<32x1000xf32, #tpu.memory_space<hbm>>
    %dma_start3A_220 = arith.constant 0 : i32
    %dma_start3A_221 = tpu.memref_slice %arg3[%add3A_214, %dma_start3A_220] : memref<16384x1000xf32, #tpu.memory_space<hbm>> -> memref<32x1000xf32, #tpu.memory_space<hbm>>
    %dma_start3A_222 = arith.constant 0 : i32
    %dma_start3A_223 = arith.constant 0 : i32
    %dma_start3A_224 = tpu.memref_slice %arg5[%dma_start3A_222, %dma_start3A_223] : memref<32x1000xf32, #tpu.memory_space<vmem>> -> memref<32x1000xf32, #tpu.memory_space<vmem>>
    tpu.enqueue_dma source(%dma_start3A_224 : memref<32x1000xf32, #tpu.memory_space<vmem>>) target(%dma_start3A_221 : memref<32x1000xf32, #tpu.memory_space<hbm>>) target_semaphore(%arg8 : memref<!tpu.dma_semaphore, #tpu.memory_space<semaphore_mem>>)
    %dma_wait3A_225 = arith.constant 0 : i32
    %dma_wait3A_226 = arith.constant 0 : i32
    %dma_wait3A_227 = tpu.memref_slice %arg6[%dma_wait3A_225, %dma_wait3A_226] : memref<32x1000xf32, #tpu.memory_space<vmem>> -> memref<32x1000xf32, #tpu.memory_space<vmem>>
    %dma_wait3A_228 = arith.constant 0 : i32
    %dma_wait3A_229 = tpu.memref_slice %arg3[%add3A_146, %dma_wait3A_228] : memref<16384x1000xf32, #tpu.memory_space<hbm>> -> memref<32x1000xf32, #tpu.memory_space<hbm>>
    %dma_wait3A_230 = arith.constant 0 : i32
    %dma_wait3A_231 = tpu.memref_slice %arg3[%add3A_146, %dma_wait3A_230] : memref<16384x1000xf32, #tpu.memory_space<hbm>> -> memref<32x1000xf32, #tpu.memory_space<hbm>>
    %dma_wait3A_232 = arith.constant 0 : i32
    %dma_wait3A_233 = arith.constant 0 : i32
    %dma_wait3A_234 = tpu.memref_slice %arg6[%dma_wait3A_232, %dma_wait3A_233] : memref<32x1000xf32, #tpu.memory_space<vmem>> -> memref<32x1000xf32, #tpu.memory_space<vmem>>
    tpu.wait_dma2 semaphore(%arg9 : memref<!tpu.dma_semaphore, #tpu.memory_space<semaphore_mem>>) src(%dma_wait3A_234 : memref<32x1000xf32, #tpu.memory_space<vmem>>) dst(%dma_wait3A_231 : memref<32x1000xf32, #tpu.memory_space<hbm>>)
    tpu.vector_store_idx %arg6[%add3A_137, %get3A_134], %broadcast_in_dim3A_3 : memref<32x1000xf32, #tpu.memory_space<vmem>>[vector<16xi32>, vector<16xi32>], vector<16xf32>,
    tpu.vector_store_idx %arg6[%add3A_142, %get3A_139], %broadcast_in_dim3A_3 : memref<32x1000xf32, #tpu.memory_space<vmem>>[vector<16xi32>, vector<16xi32>], vector<16xf32>,
    %get3A_235 = arith.constant 224 : index
    %get3A_236 = tpu.vector_load %arg4[%get3A_235] {strides = array<i32>} : memref<512xi32, #tpu.memory_space<vmem>>, vector<16xi32>,
    %add3A_237 = arith.constant 0 : i32
    %add3A_238 = vector.broadcast %add3A_237 : i32 to vector<16xi32>
    %add3A_239 = arith.addi %iota3A, %add3A_238 : vector<16xi32>
    tpu.vector_store_idx %arg6[%add3A_239, %get3A_236], %broadcast_in_dim3A_5 : memref<32x1000xf32, #tpu.memory_space<vmem>>[vector<16xi32>, vector<16xi32>], vector<16xf32>,
    %get3A_240 = arith.constant 240 : index
    %get3A_241 = tpu.vector_load %arg4[%get3A_240] {strides = array<i32>} : memref<512xi32, #tpu.memory_space<vmem>>, vector<16xi32>,
    %add3A_242 = arith.constant 16 : i32
    %add3A_243 = vector.broadcast %add3A_242 : i32 to vector<16xi32>
    %add3A_244 = arith.addi %iota3A, %add3A_243 : vector<16xi32>
    tpu.vector_store_idx %arg6[%add3A_244, %get3A_241], %broadcast_in_dim3A_5 : memref<32x1000xf32, #tpu.memory_space<vmem>>[vector<16xi32>, vector<16xi32>], vector<16xf32>,
    %add3A_245 = arith.constant 224 : i32
    %add3A_246 = arith.addi %mul3A_2, %add3A_245 : i32
    %add3A_247 = arith.constant 0 : i32
    %add3A_248 = arith.addi %add3A_246, %add3A_247 : i32
    %dma_start3A_249 = arith.constant 0 : i32
    %dma_start3A_250 = arith.constant 0 : i32
    %dma_start3A_251 = tpu.memref_slice %arg6[%dma_start3A_249, %dma_start3A_250] : memref<32x1000xf32, #tpu.memory_space<vmem>> -> memref<32x1000xf32, #tpu.memory_space<vmem>>
    %dma_start3A_252 = arith.constant 0 : i32
    %dma_start3A_253 = tpu.memref_slice %arg3[%add3A_248, %dma_start3A_252] : memref<16384x1000xf32, #tpu.memory_space<hbm>> -> memref<32x1000xf32, #tpu.memory_space<hbm>>
    %dma_start3A_254 = arith.constant 0 : i32
    %dma_start3A_255 = tpu.memref_slice %arg3[%add3A_248, %dma_start3A_254] : memref<16384x1000xf32, #tpu.memory_space<hbm>> -> memref<32x1000xf32, #tpu.memory_space<hbm>>
    %dma_start3A_256 = arith.constant 0 : i32
    %dma_start3A_257 = arith.constant 0 : i32
    %dma_start3A_258 = tpu.memref_slice %arg6[%dma_start3A_256, %dma_start3A_257] : memref<32x1000xf32, #tpu.memory_space<vmem>> -> memref<32x1000xf32, #tpu.memory_space<vmem>>
    tpu.enqueue_dma source(%dma_start3A_258 : memref<32x1000xf32, #tpu.memory_space<vmem>>) target(%dma_start3A_255 : memref<32x1000xf32, #tpu.memory_space<hbm>>) target_semaphore(%arg9 : memref<!tpu.dma_semaphore, #tpu.memory_space<semaphore_mem>>)
    %dma_wait3A_259 = arith.constant 0 : i32
    %dma_wait3A_260 = arith.constant 0 : i32
    %dma_wait3A_261 = tpu.memref_slice %arg7[%dma_wait3A_259, %dma_wait3A_260] : memref<32x1000xf32, #tpu.memory_space<vmem>> -> memref<32x1000xf32, #tpu.memory_space<vmem>>
    %dma_wait3A_262 = arith.constant 0 : i32
    %dma_wait3A_263 = tpu.memref_slice %arg3[%add3A_180, %dma_wait3A_262] : memref<16384x1000xf32, #tpu.memory_space<hbm>> -> memref<32x1000xf32, #tpu.memory_space<hbm>>
    %dma_wait3A_264 = arith.constant 0 : i32
    %dma_wait3A_265 = tpu.memref_slice %arg3[%add3A_180, %dma_wait3A_264] : memref<16384x1000xf32, #tpu.memory_space<hbm>> -> memref<32x1000xf32, #tpu.memory_space<hbm>>
    %dma_wait3A_266 = arith.constant 0 : i32
    %dma_wait3A_267 = arith.constant 0 : i32
    %dma_wait3A_268 = tpu.memref_slice %arg7[%dma_wait3A_266, %dma_wait3A_267] : memref<32x1000xf32, #tpu.memory_space<vmem>> -> memref<32x1000xf32, #tpu.memory_space<vmem>>
    tpu.wait_dma2 semaphore(%arg10 : memref<!tpu.dma_semaphore, #tpu.memory_space<semaphore_mem>>) src(%dma_wait3A_268 : memref<32x1000xf32, #tpu.memory_space<vmem>>) dst(%dma_wait3A_265 : memref<32x1000xf32, #tpu.memory_space<hbm>>)
    tpu.vector_store_idx %arg7[%add3A_171, %get3A_168], %broadcast_in_dim3A_3 : memref<32x1000xf32, #tpu.memory_space<vmem>>[vector<16xi32>, vector<16xi32>], vector<16xf32>,
    tpu.vector_store_idx %arg7[%add3A_176, %get3A_173], %broadcast_in_dim3A_3 : memref<32x1000xf32, #tpu.memory_space<vmem>>[vector<16xi32>, vector<16xi32>], vector<16xf32>,
    %get3A_269 = arith.constant 256 : index
    %get3A_270 = tpu.vector_load %arg4[%get3A_269] {strides = array<i32>} : memref<512xi32, #tpu.memory_space<vmem>>, vector<16xi32>,
    %add3A_271 = arith.constant 0 : i32
    %add3A_272 = vector.broadcast %add3A_271 : i32 to vector<16xi32>
    %add3A_273 = arith.addi %iota3A, %add3A_272 : vector<16xi32>
    tpu.vector_store_idx %arg7[%add3A_273, %get3A_270], %broadcast_in_dim3A_5 : memref<32x1000xf32, #tpu.memory_space<vmem>>[vector<16xi32>, vector<16xi32>], vector<16xf32>,
    %get3A_274 = arith.constant 272 : index
    %get3A_275 = tpu.vector_load %arg4[%get3A_274] {strides = array<i32>} : memref<512xi32, #tpu.memory_space<vmem>>, vector<16xi32>,
    %add3A_276 = arith.constant 16 : i32
    %add3A_277 = vector.broadcast %add3A_276 : i32 to vector<16xi32>
    %add3A_278 = arith.addi %iota3A, %add3A_277 : vector<16xi32>
    tpu.vector_store_idx %arg7[%add3A_278, %get3A_275], %broadcast_in_dim3A_5 : memref<32x1000xf32, #tpu.memory_space<vmem>>[vector<16xi32>, vector<16xi32>], vector<16xf32>,
    %add3A_279 = arith.constant 256 : i32
    %add3A_280 = arith.addi %mul3A_2, %add3A_279 : i32
    %add3A_281 = arith.constant 0 : i32
    %add3A_282 = arith.addi %add3A_280, %add3A_281 : i32
    %dma_start3A_283 = arith.constant 0 : i32
    %dma_start3A_284 = arith.constant 0 : i32
    %dma_start3A_285 = tpu.memref_slice %arg7[%dma_start3A_283, %dma_start3A_284] : memref<32x1000xf32, #tpu.memory_space<vmem>> -> memref<32x1000xf32, #tpu.memory_space<vmem>>
    %dma_start3A_286 = arith.constant 0 : i32
    %dma_start3A_287 = tpu.memref_slice %arg3[%add3A_282, %dma_start3A_286] : memref<16384x1000xf32, #tpu.memory_space<hbm>> -> memref<32x1000xf32, #tpu.memory_space<hbm>>
    %dma_start3A_288 = arith.constant 0 : i32
    %dma_start3A_289 = tpu.memref_slice %arg3[%add3A_282, %dma_start3A_288] : memref<16384x1000xf32, #tpu.memory_space<hbm>> -> memref<32x1000xf32, #tpu.memory_space<hbm>>
    %dma_start3A_290 = arith.constant 0 : i32
    %dma_start3A_291 = arith.constant 0 : i32
    %dma_start3A_292 = tpu.memref_slice %arg7[%dma_start3A_290, %dma_start3A_291] : memref<32x1000xf32, #tpu.memory_space<vmem>> -> memref<32x1000xf32, #tpu.memory_space<vmem>>
    tpu.enqueue_dma source(%dma_start3A_292 : memref<32x1000xf32, #tpu.memory_space<vmem>>) target(%dma_start3A_289 : memref<32x1000xf32, #tpu.memory_space<hbm>>) target_semaphore(%arg10 : memref<!tpu.dma_semaphore, #tpu.memory_space<semaphore_mem>>)
    %dma_wait3A_293 = arith.constant 0 : i32
    %dma_wait3A_294 = arith.constant 0 : i32
    %dma_wait3A_295 = tpu.memref_slice %arg5[%dma_wait3A_293, %dma_wait3A_294] : memref<32x1000xf32, #tpu.memory_space<vmem>> -> memref<32x1000xf32, #tpu.memory_space<vmem>>
    %dma_wait3A_296 = arith.constant 0 : i32
    %dma_wait3A_297 = tpu.memref_slice %arg3[%add3A_214, %dma_wait3A_296] : memref<16384x1000xf32, #tpu.memory_space<hbm>> -> memref<32x1000xf32, #tpu.memory_space<hbm>>
    %dma_wait3A_298 = arith.constant 0 : i32
    %dma_wait3A_299 = tpu.memref_slice %arg3[%add3A_214, %dma_wait3A_298] : memref<16384x1000xf32, #tpu.memory_space<hbm>> -> memref<32x1000xf32, #tpu.memory_space<hbm>>
    %dma_wait3A_300 = arith.constant 0 : i32
    %dma_wait3A_301 = arith.constant 0 : i32
    %dma_wait3A_302 = tpu.memref_slice %arg5[%dma_wait3A_300, %dma_wait3A_301] : memref<32x1000xf32, #tpu.memory_space<vmem>> -> memref<32x1000xf32, #tpu.memory_space<vmem>>
    tpu.wait_dma2 semaphore(%arg8 : memref<!tpu.dma_semaphore, #tpu.memory_space<semaphore_mem>>) src(%dma_wait3A_302 : memref<32x1000xf32, #tpu.memory_space<vmem>>) dst(%dma_wait3A_299 : memref<32x1000xf32, #tpu.memory_space<hbm>>)
    tpu.vector_store_idx %arg5[%add3A_205, %get3A_202], %broadcast_in_dim3A_3 : memref<32x1000xf32, #tpu.memory_space<vmem>>[vector<16xi32>, vector<16xi32>], vector<16xf32>,
    tpu.vector_store_idx %arg5[%add3A_210, %get3A_207], %broadcast_in_dim3A_3 : memref<32x1000xf32, #tpu.memory_space<vmem>>[vector<16xi32>, vector<16xi32>], vector<16xf32>,
    %get3A_303 = arith.constant 288 : index
    %get3A_304 = tpu.vector_load %arg4[%get3A_303] {strides = array<i32>} : memref<512xi32, #tpu.memory_space<vmem>>, vector<16xi32>,
    %add3A_305 = arith.constant 0 : i32
    %add3A_306 = vector.broadcast %add3A_305 : i32 to vector<16xi32>
    %add3A_307 = arith.addi %iota3A, %add3A_306 : vector<16xi32>
    tpu.vector_store_idx %arg5[%add3A_307, %get3A_304], %broadcast_in_dim3A_5 : memref<32x1000xf32, #tpu.memory_space<vmem>>[vector<16xi32>, vector<16xi32>], vector<16xf32>,
    %get3A_308 = arith.constant 304 : index
    %get3A_309 = tpu.vector_load %arg4[%get3A_308] {strides = array<i32>} : memref<512xi32, #tpu.memory_space<vmem>>, vector<16xi32>,
    %add3A_310 = arith.constant 16 : i32
    %add3A_311 = vector.broadcast %add3A_310 : i32 to vector<16xi32>
    %add3A_312 = arith.addi %iota3A, %add3A_311 : vector<16xi32>
    tpu.vector_store_idx %arg5[%add3A_312, %get3A_309], %broadcast_in_dim3A_5 : memref<32x1000xf32, #tpu.memory_space<vmem>>[vector<16xi32>, vector<16xi32>], vector<16xf32>,
    %add3A_313 = arith.constant 288 : i32
    %add3A_314 = arith.addi %mul3A_2, %add3A_313 : i32
    %add3A_315 = arith.constant 0 : i32
    %add3A_316 = arith.addi %add3A_314, %add3A_315 : i32
    %dma_start3A_317 = arith.constant 0 : i32
    %dma_start3A_318 = arith.constant 0 : i32
    %dma_start3A_319 = tpu.memref_slice %arg5[%dma_start3A_317, %dma_start3A_318] : memref<32x1000xf32, #tpu.memory_space<vmem>> -> memref<32x1000xf32, #tpu.memory_space<vmem>>
    %dma_start3A_320 = arith.constant 0 : i32
    %dma_start3A_321 = tpu.memref_slice %arg3[%add3A_316, %dma_start3A_320] : memref<16384x1000xf32, #tpu.memory_space<hbm>> -> memref<32x1000xf32, #tpu.memory_space<hbm>>
    %dma_start3A_322 = arith.constant 0 : i32
    %dma_start3A_323 = tpu.memref_slice %arg3[%add3A_316, %dma_start3A_322] : memref<16384x1000xf32, #tpu.memory_space<hbm>> -> memref<32x1000xf32, #tpu.memory_space<hbm>>
    %dma_start3A_324 = arith.constant 0 : i32
    %dma_start3A_325 = arith.constant 0 : i32
    %dma_start3A_326 = tpu.memref_slice %arg5[%dma_start3A_324, %dma_start3A_325] : memref<32x1000xf32, #tpu.memory_space<vmem>> -> memref<32x1000xf32, #tpu.memory_space<vmem>>
    tpu.enqueue_dma source(%dma_start3A_326 : memref<32x1000xf32, #tpu.memory_space<vmem>>) target(%dma_start3A_323 : memref<32x1000xf32, #tpu.memory_space<hbm>>) target_semaphore(%arg8 : memref<!tpu.dma_semaphore, #tpu.memory_space<semaphore_mem>>)
    %dma_wait3A_327 = arith.constant 0 : i32
    %dma_wait3A_328 = arith.constant 0 : i32
    %dma_wait3A_329 = tpu.memref_slice %arg6[%dma_wait3A_327, %dma_wait3A_328] : memref<32x1000xf32, #tpu.memory_space<vmem>> -> memref<32x1000xf32, #tpu.memory_space<vmem>>
    %dma_wait3A_330 = arith.constant 0 : i32
    %dma_wait3A_331 = tpu.memref_slice %arg3[%add3A_248, %dma_wait3A_330] : memref<16384x1000xf32, #tpu.memory_space<hbm>> -> memref<32x1000xf32, #tpu.memory_space<hbm>>
    %dma_wait3A_332 = arith.constant 0 : i32
    %dma_wait3A_333 = tpu.memref_slice %arg3[%add3A_248, %dma_wait3A_332] : memref<16384x1000xf32, #tpu.memory_space<hbm>> -> memref<32x1000xf32, #tpu.memory_space<hbm>>
    %dma_wait3A_334 = arith.constant 0 : i32
    %dma_wait3A_335 = arith.constant 0 : i32
    %dma_wait3A_336 = tpu.memref_slice %arg6[%dma_wait3A_334, %dma_wait3A_335] : memref<32x1000xf32, #tpu.memory_space<vmem>> -> memref<32x1000xf32, #tpu.memory_space<vmem>>
    tpu.wait_dma2 semaphore(%arg9 : memref<!tpu.dma_semaphore, #tpu.memory_space<semaphore_mem>>) src(%dma_wait3A_336 : memref<32x1000xf32, #tpu.memory_space<vmem>>) dst(%dma_wait3A_333 : memref<32x1000xf32, #tpu.memory_space<hbm>>)
    tpu.vector_store_idx %arg6[%add3A_239, %get3A_236], %broadcast_in_dim3A_3 : memref<32x1000xf32, #tpu.memory_space<vmem>>[vector<16xi32>, vector<16xi32>], vector<16xf32>,
    tpu.vector_store_idx %arg6[%add3A_244, %get3A_241], %broadcast_in_dim3A_3 : memref<32x1000xf32, #tpu.memory_space<vmem>>[vector<16xi32>, vector<16xi32>], vector<16xf32>,
    %get3A_337 = arith.constant 320 : index
    %get3A_338 = tpu.vector_load %arg4[%get3A_337] {strides = array<i32>} : memref<512xi32, #tpu.memory_space<vmem>>, vector<16xi32>,
    %add3A_339 = arith.constant 0 : i32
    %add3A_340 = vector.broadcast %add3A_339 : i32 to vector<16xi32>
    %add3A_341 = arith.addi %iota3A, %add3A_340 : vector<16xi32>
    tpu.vector_store_idx %arg6[%add3A_341, %get3A_338], %broadcast_in_dim3A_5 : memref<32x1000xf32, #tpu.memory_space<vmem>>[vector<16xi32>, vector<16xi32>], vector<16xf32>,
    %get3A_342 = arith.constant 336 : index
    %get3A_343 = tpu.vector_load %arg4[%get3A_342] {strides = array<i32>} : memref<512xi32, #tpu.memory_space<vmem>>, vector<16xi32>,
    %add3A_344 = arith.constant 16 : i32
    %add3A_345 = vector.broadcast %add3A_344 : i32 to vector<16xi32>
    %add3A_346 = arith.addi %iota3A, %add3A_345 : vector<16xi32>
    tpu.vector_store_idx %arg6[%add3A_346, %get3A_343], %broadcast_in_dim3A_5 : memref<32x1000xf32, #tpu.memory_space<vmem>>[vector<16xi32>, vector<16xi32>], vector<16xf32>,
    %add3A_347 = arith.constant 320 : i32
    %add3A_348 = arith.addi %mul3A_2, %add3A_347 : i32
    %add3A_349 = arith.constant 0 : i32
    %add3A_350 = arith.addi %add3A_348, %add3A_349 : i32
    %dma_start3A_351 = arith.constant 0 : i32
    %dma_start3A_352 = arith.constant 0 : i32
    %dma_start3A_353 = tpu.memref_slice %arg6[%dma_start3A_351, %dma_start3A_352] : memref<32x1000xf32, #tpu.memory_space<vmem>> -> memref<32x1000xf32, #tpu.memory_space<vmem>>
    %dma_start3A_354 = arith.constant 0 : i32
    %dma_start3A_355 = tpu.memref_slice %arg3[%add3A_350, %dma_start3A_354] : memref<16384x1000xf32, #tpu.memory_space<hbm>> -> memref<32x1000xf32, #tpu.memory_space<hbm>>
    %dma_start3A_356 = arith.constant 0 : i32
    %dma_start3A_357 = tpu.memref_slice %arg3[%add3A_350, %dma_start3A_356] : memref<16384x1000xf32, #tpu.memory_space<hbm>> -> memref<32x1000xf32, #tpu.memory_space<hbm>>
    %dma_start3A_358 = arith.constant 0 : i32
    %dma_start3A_359 = arith.constant 0 : i32
    %dma_start3A_360 = tpu.memref_slice %arg6[%dma_start3A_358, %dma_start3A_359] : memref<32x1000xf32, #tpu.memory_space<vmem>> -> memref<32x1000xf32, #tpu.memory_space<vmem>>
    tpu.enqueue_dma source(%dma_start3A_360 : memref<32x1000xf32, #tpu.memory_space<vmem>>) target(%dma_start3A_357 : memref<32x1000xf32, #tpu.memory_space<hbm>>) target_semaphore(%arg9 : memref<!tpu.dma_semaphore, #tpu.memory_space<semaphore_mem>>)
    %dma_wait3A_361 = arith.constant 0 : i32
    %dma_wait3A_362 = arith.constant 0 : i32
    %dma_wait3A_363 = tpu.memref_slice %arg7[%dma_wait3A_361, %dma_wait3A_362] : memref<32x1000xf32, #tpu.memory_space<vmem>> -> memref<32x1000xf32, #tpu.memory_space<vmem>>
    %dma_wait3A_364 = arith.constant 0 : i32
    %dma_wait3A_365 = tpu.memref_slice %arg3[%add3A_282, %dma_wait3A_364] : memref<16384x1000xf32, #tpu.memory_space<hbm>> -> memref<32x1000xf32, #tpu.memory_space<hbm>>
    %dma_wait3A_366 = arith.constant 0 : i32
    %dma_wait3A_367 = tpu.memref_slice %arg3[%add3A_282, %dma_wait3A_366] : memref<16384x1000xf32, #tpu.memory_space<hbm>> -> memref<32x1000xf32, #tpu.memory_space<hbm>>
    %dma_wait3A_368 = arith.constant 0 : i32
    %dma_wait3A_369 = arith.constant 0 : i32
    %dma_wait3A_370 = tpu.memref_slice %arg7[%dma_wait3A_368, %dma_wait3A_369] : memref<32x1000xf32, #tpu.memory_space<vmem>> -> memref<32x1000xf32, #tpu.memory_space<vmem>>
    tpu.wait_dma2 semaphore(%arg10 : memref<!tpu.dma_semaphore, #tpu.memory_space<semaphore_mem>>) src(%dma_wait3A_370 : memref<32x1000xf32, #tpu.memory_space<vmem>>) dst(%dma_wait3A_367 : memref<32x1000xf32, #tpu.memory_space<hbm>>)
    tpu.vector_store_idx %arg7[%add3A_273, %get3A_270], %broadcast_in_dim3A_3 : memref<32x1000xf32, #tpu.memory_space<vmem>>[vector<16xi32>, vector<16xi32>], vector<16xf32>,
    tpu.vector_store_idx %arg7[%add3A_278, %get3A_275], %broadcast_in_dim3A_3 : memref<32x1000xf32, #tpu.memory_space<vmem>>[vector<16xi32>, vector<16xi32>], vector<16xf32>,
    %get3A_371 = arith.constant 352 : index
    %get3A_372 = tpu.vector_load %arg4[%get3A_371] {strides = array<i32>} : memref<512xi32, #tpu.memory_space<vmem>>, vector<16xi32>,
    %add3A_373 = arith.constant 0 : i32
    %add3A_374 = vector.broadcast %add3A_373 : i32 to vector<16xi32>
    %add3A_375 = arith.addi %iota3A, %add3A_374 : vector<16xi32>
    tpu.vector_store_idx %arg7[%add3A_375, %get3A_372], %broadcast_in_dim3A_5 : memref<32x1000xf32, #tpu.memory_space<vmem>>[vector<16xi32>, vector<16xi32>], vector<16xf32>,
    %get3A_376 = arith.constant 368 : index
    %get3A_377 = tpu.vector_load %arg4[%get3A_376] {strides = array<i32>} : memref<512xi32, #tpu.memory_space<vmem>>, vector<16xi32>,
    %add3A_378 = arith.constant 16 : i32
    %add3A_379 = vector.broadcast %add3A_378 : i32 to vector<16xi32>
    %add3A_380 = arith.addi %iota3A, %add3A_379 : vector<16xi32>
    tpu.vector_store_idx %arg7[%add3A_380, %get3A_377], %broadcast_in_dim3A_5 : memref<32x1000xf32, #tpu.memory_space<vmem>>[vector<16xi32>, vector<16xi32>], vector<16xf32>,
    %add3A_381 = arith.constant 352 : i32
    %add3A_382 = arith.addi %mul3A_2, %add3A_381 : i32
    %add3A_383 = arith.constant 0 : i32
    %add3A_384 = arith.addi %add3A_382, %add3A_383 : i32
    %dma_start3A_385 = arith.constant 0 : i32
    %dma_start3A_386 = arith.constant 0 : i32
    %dma_start3A_387 = tpu.memref_slice %arg7[%dma_start3A_385, %dma_start3A_386] : memref<32x1000xf32, #tpu.memory_space<vmem>> -> memref<32x1000xf32, #tpu.memory_space<vmem>>
    %dma_start3A_388 = arith.constant 0 : i32
    %dma_start3A_389 = tpu.memref_slice %arg3[%add3A_384, %dma_start3A_388] : memref<16384x1000xf32, #tpu.memory_space<hbm>> -> memref<32x1000xf32, #tpu.memory_space<hbm>>
    %dma_start3A_390 = arith.constant 0 : i32
    %dma_start3A_391 = tpu.memref_slice %arg3[%add3A_384, %dma_start3A_390] : memref<16384x1000xf32, #tpu.memory_space<hbm>> -> memref<32x1000xf32, #tpu.memory_space<hbm>>
    %dma_start3A_392 = arith.constant 0 : i32
    %dma_start3A_393 = arith.constant 0 : i32
    %dma_start3A_394 = tpu.memref_slice %arg7[%dma_start3A_392, %dma_start3A_393] : memref<32x1000xf32, #tpu.memory_space<vmem>> -> memref<32x1000xf32, #tpu.memory_space<vmem>>
    tpu.enqueue_dma source(%dma_start3A_394 : memref<32x1000xf32, #tpu.memory_space<vmem>>) target(%dma_start3A_391 : memref<32x1000xf32, #tpu.memory_space<hbm>>) target_semaphore(%arg10 : memref<!tpu.dma_semaphore, #tpu.memory_space<semaphore_mem>>)
    %dma_wait3A_395 = arith.constant 0 : i32
    %dma_wait3A_396 = arith.constant 0 : i32
    %dma_wait3A_397 = tpu.memref_slice %arg5[%dma_wait3A_395, %dma_wait3A_396] : memref<32x1000xf32, #tpu.memory_space<vmem>> -> memref<32x1000xf32, #tpu.memory_space<vmem>>
    %dma_wait3A_398 = arith.constant 0 : i32
    %dma_wait3A_399 = tpu.memref_slice %arg3[%add3A_316, %dma_wait3A_398] : memref<16384x1000xf32, #tpu.memory_space<hbm>> -> memref<32x1000xf32, #tpu.memory_space<hbm>>
    %dma_wait3A_400 = arith.constant 0 : i32
    %dma_wait3A_401 = tpu.memref_slice %arg3[%add3A_316, %dma_wait3A_400] : memref<16384x1000xf32, #tpu.memory_space<hbm>> -> memref<32x1000xf32, #tpu.memory_space<hbm>>
    %dma_wait3A_402 = arith.constant 0 : i32
    %dma_wait3A_403 = arith.constant 0 : i32
    %dma_wait3A_404 = tpu.memref_slice %arg5[%dma_wait3A_402, %dma_wait3A_403] : memref<32x1000xf32, #tpu.memory_space<vmem>> -> memref<32x1000xf32, #tpu.memory_space<vmem>>
    tpu.wait_dma2 semaphore(%arg8 : memref<!tpu.dma_semaphore, #tpu.memory_space<semaphore_mem>>) src(%dma_wait3A_404 : memref<32x1000xf32, #tpu.memory_space<vmem>>) dst(%dma_wait3A_401 : memref<32x1000xf32, #tpu.memory_space<hbm>>)
    tpu.vector_store_idx %arg5[%add3A_307, %get3A_304], %broadcast_in_dim3A_3 : memref<32x1000xf32, #tpu.memory_space<vmem>>[vector<16xi32>, vector<16xi32>], vector<16xf32>,
    tpu.vector_store_idx %arg5[%add3A_312, %get3A_309], %broadcast_in_dim3A_3 : memref<32x1000xf32, #tpu.memory_space<vmem>>[vector<16xi32>, vector<16xi32>], vector<16xf32>,
    %get3A_405 = arith.constant 384 : index
    %get3A_406 = tpu.vector_load %arg4[%get3A_405] {strides = array<i32>} : memref<512xi32, #tpu.memory_space<vmem>>, vector<16xi32>,
    %add3A_407 = arith.constant 0 : i32
    %add3A_408 = vector.broadcast %add3A_407 : i32 to vector<16xi32>
    %add3A_409 = arith.addi %iota3A, %add3A_408 : vector<16xi32>
    tpu.vector_store_idx %arg5[%add3A_409, %get3A_406], %broadcast_in_dim3A_5 : memref<32x1000xf32, #tpu.memory_space<vmem>>[vector<16xi32>, vector<16xi32>], vector<16xf32>,
    %get3A_410 = arith.constant 400 : index
    %get3A_411 = tpu.vector_load %arg4[%get3A_410] {strides = array<i32>} : memref<512xi32, #tpu.memory_space<vmem>>, vector<16xi32>,
    %add3A_412 = arith.constant 16 : i32
    %add3A_413 = vector.broadcast %add3A_412 : i32 to vector<16xi32>
    %add3A_414 = arith.addi %iota3A, %add3A_413 : vector<16xi32>
    tpu.vector_store_idx %arg5[%add3A_414, %get3A_411], %broadcast_in_dim3A_5 : memref<32x1000xf32, #tpu.memory_space<vmem>>[vector<16xi32>, vector<16xi32>], vector<16xf32>,
    %add3A_415 = arith.constant 384 : i32
    %add3A_416 = arith.addi %mul3A_2, %add3A_415 : i32
    %add3A_417 = arith.constant 0 : i32
    %add3A_418 = arith.addi %add3A_416, %add3A_417 : i32
    %dma_start3A_419 = arith.constant 0 : i32
    %dma_start3A_420 = arith.constant 0 : i32
    %dma_start3A_421 = tpu.memref_slice %arg5[%dma_start3A_419, %dma_start3A_420] : memref<32x1000xf32, #tpu.memory_space<vmem>> -> memref<32x1000xf32, #tpu.memory_space<vmem>>
    %dma_start3A_422 = arith.constant 0 : i32
    %dma_start3A_423 = tpu.memref_slice %arg3[%add3A_418, %dma_start3A_422] : memref<16384x1000xf32, #tpu.memory_space<hbm>> -> memref<32x1000xf32, #tpu.memory_space<hbm>>
    %dma_start3A_424 = arith.constant 0 : i32
    %dma_start3A_425 = tpu.memref_slice %arg3[%add3A_418, %dma_start3A_424] : memref<16384x1000xf32, #tpu.memory_space<hbm>> -> memref<32x1000xf32, #tpu.memory_space<hbm>>
    %dma_start3A_426 = arith.constant 0 : i32
    %dma_start3A_427 = arith.constant 0 : i32
    %dma_start3A_428 = tpu.memref_slice %arg5[%dma_start3A_426, %dma_start3A_427] : memref<32x1000xf32, #tpu.memory_space<vmem>> -> memref<32x1000xf32, #tpu.memory_space<vmem>>
    tpu.enqueue_dma source(%dma_start3A_428 : memref<32x1000xf32, #tpu.memory_space<vmem>>) target(%dma_start3A_425 : memref<32x1000xf32, #tpu.memory_space<hbm>>) target_semaphore(%arg8 : memref<!tpu.dma_semaphore, #tpu.memory_space<semaphore_mem>>)
    %dma_wait3A_429 = arith.constant 0 : i32
    %dma_wait3A_430 = arith.constant 0 : i32
    %dma_wait3A_431 = tpu.memref_slice %arg6[%dma_wait3A_429, %dma_wait3A_430] : memref<32x1000xf32, #tpu.memory_space<vmem>> -> memref<32x1000xf32, #tpu.memory_space<vmem>>
    %dma_wait3A_432 = arith.constant 0 : i32
    %dma_wait3A_433 = tpu.memref_slice %arg3[%add3A_350, %dma_wait3A_432] : memref<16384x1000xf32, #tpu.memory_space<hbm>> -> memref<32x1000xf32, #tpu.memory_space<hbm>>
    %dma_wait3A_434 = arith.constant 0 : i32
    %dma_wait3A_435 = tpu.memref_slice %arg3[%add3A_350, %dma_wait3A_434] : memref<16384x1000xf32, #tpu.memory_space<hbm>> -> memref<32x1000xf32, #tpu.memory_space<hbm>>
    %dma_wait3A_436 = arith.constant 0 : i32
    %dma_wait3A_437 = arith.constant 0 : i32
    %dma_wait3A_438 = tpu.memref_slice %arg6[%dma_wait3A_436, %dma_wait3A_437] : memref<32x1000xf32, #tpu.memory_space<vmem>> -> memref<32x1000xf32, #tpu.memory_space<vmem>>
    tpu.wait_dma2 semaphore(%arg9 : memref<!tpu.dma_semaphore, #tpu.memory_space<semaphore_mem>>) src(%dma_wait3A_438 : memref<32x1000xf32, #tpu.memory_space<vmem>>) dst(%dma_wait3A_435 : memref<32x1000xf32, #tpu.memory_space<hbm>>)
    tpu.vector_store_idx %arg6[%add3A_341, %get3A_338], %broadcast_in_dim3A_3 : memref<32x1000xf32, #tpu.memory_space<vmem>>[vector<16xi32>, vector<16xi32>], vector<16xf32>,
    tpu.vector_store_idx %arg6[%add3A_346, %get3A_343], %broadcast_in_dim3A_3 : memref<32x1000xf32, #tpu.memory_space<vmem>>[vector<16xi32>, vector<16xi32>], vector<16xf32>,
    %get3A_439 = arith.constant 416 : index
    %get3A_440 = tpu.vector_load %arg4[%get3A_439] {strides = array<i32>} : memref<512xi32, #tpu.memory_space<vmem>>, vector<16xi32>,
    %add3A_441 = arith.constant 0 : i32
    %add3A_442 = vector.broadcast %add3A_441 : i32 to vector<16xi32>
    %add3A_443 = arith.addi %iota3A, %add3A_442 : vector<16xi32>
    tpu.vector_store_idx %arg6[%add3A_443, %get3A_440], %broadcast_in_dim3A_5 : memref<32x1000xf32, #tpu.memory_space<vmem>>[vector<16xi32>, vector<16xi32>], vector<16xf32>,
    %get3A_444 = arith.constant 432 : index
    %get3A_445 = tpu.vector_load %arg4[%get3A_444] {strides = array<i32>} : memref<512xi32, #tpu.memory_space<vmem>>, vector<16xi32>,
    %add3A_446 = arith.constant 16 : i32
    %add3A_447 = vector.broadcast %add3A_446 : i32 to vector<16xi32>
    %add3A_448 = arith.addi %iota3A, %add3A_447 : vector<16xi32>
    tpu.vector_store_idx %arg6[%add3A_448, %get3A_445], %broadcast_in_dim3A_5 : memref<32x1000xf32, #tpu.memory_space<vmem>>[vector<16xi32>, vector<16xi32>], vector<16xf32>,
    %add3A_449 = arith.constant 416 : i32
    %add3A_450 = arith.addi %mul3A_2, %add3A_449 : i32
    %add3A_451 = arith.constant 0 : i32
    %add3A_452 = arith.addi %add3A_450, %add3A_451 : i32
    %dma_start3A_453 = arith.constant 0 : i32
    %dma_start3A_454 = arith.constant 0 : i32
    %dma_start3A_455 = tpu.memref_slice %arg6[%dma_start3A_453, %dma_start3A_454] : memref<32x1000xf32, #tpu.memory_space<vmem>> -> memref<32x1000xf32, #tpu.memory_space<vmem>>
    %dma_start3A_456 = arith.constant 0 : i32
    %dma_start3A_457 = tpu.memref_slice %arg3[%add3A_452, %dma_start3A_456] : memref<16384x1000xf32, #tpu.memory_space<hbm>> -> memref<32x1000xf32, #tpu.memory_space<hbm>>
    %dma_start3A_458 = arith.constant 0 : i32
    %dma_start3A_459 = tpu.memref_slice %arg3[%add3A_452, %dma_start3A_458] : memref<16384x1000xf32, #tpu.memory_space<hbm>> -> memref<32x1000xf32, #tpu.memory_space<hbm>>
    %dma_start3A_460 = arith.constant 0 : i32
    %dma_start3A_461 = arith.constant 0 : i32
    %dma_start3A_462 = tpu.memref_slice %arg6[%dma_start3A_460, %dma_start3A_461] : memref<32x1000xf32, #tpu.memory_space<vmem>> -> memref<32x1000xf32, #tpu.memory_space<vmem>>
    tpu.enqueue_dma source(%dma_start3A_462 : memref<32x1000xf32, #tpu.memory_space<vmem>>) target(%dma_start3A_459 : memref<32x1000xf32, #tpu.memory_space<hbm>>) target_semaphore(%arg9 : memref<!tpu.dma_semaphore, #tpu.memory_space<semaphore_mem>>)
    %dma_wait3A_463 = arith.constant 0 : i32
    %dma_wait3A_464 = arith.constant 0 : i32
    %dma_wait3A_465 = tpu.memref_slice %arg7[%dma_wait3A_463, %dma_wait3A_464] : memref<32x1000xf32, #tpu.memory_space<vmem>> -> memref<32x1000xf32, #tpu.memory_space<vmem>>
    %dma_wait3A_466 = arith.constant 0 : i32
    %dma_wait3A_467 = tpu.memref_slice %arg3[%add3A_384, %dma_wait3A_466] : memref<16384x1000xf32, #tpu.memory_space<hbm>> -> memref<32x1000xf32, #tpu.memory_space<hbm>>
    %dma_wait3A_468 = arith.constant 0 : i32
    %dma_wait3A_469 = tpu.memref_slice %arg3[%add3A_384, %dma_wait3A_468] : memref<16384x1000xf32, #tpu.memory_space<hbm>> -> memref<32x1000xf32, #tpu.memory_space<hbm>>
    %dma_wait3A_470 = arith.constant 0 : i32
    %dma_wait3A_471 = arith.constant 0 : i32
    %dma_wait3A_472 = tpu.memref_slice %arg7[%dma_wait3A_470, %dma_wait3A_471] : memref<32x1000xf32, #tpu.memory_space<vmem>> -> memref<32x1000xf32, #tpu.memory_space<vmem>>
    tpu.wait_dma2 semaphore(%arg10 : memref<!tpu.dma_semaphore, #tpu.memory_space<semaphore_mem>>) src(%dma_wait3A_472 : memref<32x1000xf32, #tpu.memory_space<vmem>>) dst(%dma_wait3A_469 : memref<32x1000xf32, #tpu.memory_space<hbm>>)
    tpu.vector_store_idx %arg7[%add3A_375, %get3A_372], %broadcast_in_dim3A_3 : memref<32x1000xf32, #tpu.memory_space<vmem>>[vector<16xi32>, vector<16xi32>], vector<16xf32>,
    tpu.vector_store_idx %arg7[%add3A_380, %get3A_377], %broadcast_in_dim3A_3 : memref<32x1000xf32, #tpu.memory_space<vmem>>[vector<16xi32>, vector<16xi32>], vector<16xf32>,
    %get3A_473 = arith.constant 448 : index
    %get3A_474 = tpu.vector_load %arg4[%get3A_473] {strides = array<i32>} : memref<512xi32, #tpu.memory_space<vmem>>, vector<16xi32>,
    %add3A_475 = arith.constant 0 : i32
    %add3A_476 = vector.broadcast %add3A_475 : i32 to vector<16xi32>
    %add3A_477 = arith.addi %iota3A, %add3A_476 : vector<16xi32>
    tpu.vector_store_idx %arg7[%add3A_477, %get3A_474], %broadcast_in_dim3A_5 : memref<32x1000xf32, #tpu.memory_space<vmem>>[vector<16xi32>, vector<16xi32>], vector<16xf32>,
    %get3A_478 = arith.constant 464 : index
    %get3A_479 = tpu.vector_load %arg4[%get3A_478] {strides = array<i32>} : memref<512xi32, #tpu.memory_space<vmem>>, vector<16xi32>,
    %add3A_480 = arith.constant 16 : i32
    %add3A_481 = vector.broadcast %add3A_480 : i32 to vector<16xi32>
    %add3A_482 = arith.addi %iota3A, %add3A_481 : vector<16xi32>
    tpu.vector_store_idx %arg7[%add3A_482, %get3A_479], %broadcast_in_dim3A_5 : memref<32x1000xf32, #tpu.memory_space<vmem>>[vector<16xi32>, vector<16xi32>], vector<16xf32>,
    %add3A_483 = arith.constant 448 : i32
    %add3A_484 = arith.addi %mul3A_2, %add3A_483 : i32
    %add3A_485 = arith.constant 0 : i32
    %add3A_486 = arith.addi %add3A_484, %add3A_485 : i32
    %dma_start3A_487 = arith.constant 0 : i32
    %dma_start3A_488 = arith.constant 0 : i32
    %dma_start3A_489 = tpu.memref_slice %arg7[%dma_start3A_487, %dma_start3A_488] : memref<32x1000xf32, #tpu.memory_space<vmem>> -> memref<32x1000xf32, #tpu.memory_space<vmem>>
    %dma_start3A_490 = arith.constant 0 : i32
    %dma_start3A_491 = tpu.memref_slice %arg3[%add3A_486, %dma_start3A_490] : memref<16384x1000xf32, #tpu.memory_space<hbm>> -> memref<32x1000xf32, #tpu.memory_space<hbm>>
    %dma_start3A_492 = arith.constant 0 : i32
    %dma_start3A_493 = tpu.memref_slice %arg3[%add3A_486, %dma_start3A_492] : memref<16384x1000xf32, #tpu.memory_space<hbm>> -> memref<32x1000xf32, #tpu.memory_space<hbm>>
    %dma_start3A_494 = arith.constant 0 : i32
    %dma_start3A_495 = arith.constant 0 : i32
    %dma_start3A_496 = tpu.memref_slice %arg7[%dma_start3A_494, %dma_start3A_495] : memref<32x1000xf32, #tpu.memory_space<vmem>> -> memref<32x1000xf32, #tpu.memory_space<vmem>>
    tpu.enqueue_dma source(%dma_start3A_496 : memref<32x1000xf32, #tpu.memory_space<vmem>>) target(%dma_start3A_493 : memref<32x1000xf32, #tpu.memory_space<hbm>>) target_semaphore(%arg10 : memref<!tpu.dma_semaphore, #tpu.memory_space<semaphore_mem>>)
    %dma_wait3A_497 = arith.constant 0 : i32
    %dma_wait3A_498 = arith.constant 0 : i32
    %dma_wait3A_499 = tpu.memref_slice %arg5[%dma_wait3A_497, %dma_wait3A_498] : memref<32x1000xf32, #tpu.memory_space<vmem>> -> memref<32x1000xf32, #tpu.memory_space<vmem>>
    %dma_wait3A_500 = arith.constant 0 : i32
    %dma_wait3A_501 = tpu.memref_slice %arg3[%add3A_418, %dma_wait3A_500] : memref<16384x1000xf32, #tpu.memory_space<hbm>> -> memref<32x1000xf32, #tpu.memory_space<hbm>>
    %dma_wait3A_502 = arith.constant 0 : i32
    %dma_wait3A_503 = tpu.memref_slice %arg3[%add3A_418, %dma_wait3A_502] : memref<16384x1000xf32, #tpu.memory_space<hbm>> -> memref<32x1000xf32, #tpu.memory_space<hbm>>
    %dma_wait3A_504 = arith.constant 0 : i32
    %dma_wait3A_505 = arith.constant 0 : i32
    %dma_wait3A_506 = tpu.memref_slice %arg5[%dma_wait3A_504, %dma_wait3A_505] : memref<32x1000xf32, #tpu.memory_space<vmem>> -> memref<32x1000xf32, #tpu.memory_space<vmem>>
    tpu.wait_dma2 semaphore(%arg8 : memref<!tpu.dma_semaphore, #tpu.memory_space<semaphore_mem>>) src(%dma_wait3A_506 : memref<32x1000xf32, #tpu.memory_space<vmem>>) dst(%dma_wait3A_503 : memref<32x1000xf32, #tpu.memory_space<hbm>>)
    tpu.vector_store_idx %arg5[%add3A_409, %get3A_406], %broadcast_in_dim3A_3 : memref<32x1000xf32, #tpu.memory_space<vmem>>[vector<16xi32>, vector<16xi32>], vector<16xf32>,
    tpu.vector_store_idx %arg5[%add3A_414, %get3A_411], %broadcast_in_dim3A_3 : memref<32x1000xf32, #tpu.memory_space<vmem>>[vector<16xi32>, vector<16xi32>], vector<16xf32>,
    %get3A_507 = arith.constant 480 : index
    %get3A_508 = tpu.vector_load %arg4[%get3A_507] {strides = array<i32>} : memref<512xi32, #tpu.memory_space<vmem>>, vector<16xi32>,
    %add3A_509 = arith.constant 0 : i32
    %add3A_510 = vector.broadcast %add3A_509 : i32 to vector<16xi32>
    %add3A_511 = arith.addi %iota3A, %add3A_510 : vector<16xi32>
    tpu.vector_store_idx %arg5[%add3A_511, %get3A_508], %broadcast_in_dim3A_5 : memref<32x1000xf32, #tpu.memory_space<vmem>>[vector<16xi32>, vector<16xi32>], vector<16xf32>,
    %get3A_512 = arith.constant 496 : index
    %get3A_513 = tpu.vector_load %arg4[%get3A_512] {strides = array<i32>} : memref<512xi32, #tpu.memory_space<vmem>>, vector<16xi32>,
    %add3A_514 = arith.constant 16 : i32
    %add3A_515 = vector.broadcast %add3A_514 : i32 to vector<16xi32>
    %add3A_516 = arith.addi %iota3A, %add3A_515 : vector<16xi32>
    tpu.vector_store_idx %arg5[%add3A_516, %get3A_513], %broadcast_in_dim3A_5 : memref<32x1000xf32, #tpu.memory_space<vmem>>[vector<16xi32>, vector<16xi32>], vector<16xf32>,
    %add3A_517 = arith.constant 480 : i32
    %add3A_518 = arith.addi %mul3A_2, %add3A_517 : i32
    %add3A_519 = arith.constant 0 : i32
    %add3A_520 = arith.addi %add3A_518, %add3A_519 : i32
    %dma_start3A_521 = arith.constant 0 : i32
    %dma_start3A_522 = arith.constant 0 : i32
    %dma_start3A_523 = tpu.memref_slice %arg5[%dma_start3A_521, %dma_start3A_522] : memref<32x1000xf32, #tpu.memory_space<vmem>> -> memref<32x1000xf32, #tpu.memory_space<vmem>>
    %dma_start3A_524 = arith.constant 0 : i32
    %dma_start3A_525 = tpu.memref_slice %arg3[%add3A_520, %dma_start3A_524] : memref<16384x1000xf32, #tpu.memory_space<hbm>> -> memref<32x1000xf32, #tpu.memory_space<hbm>>
    %dma_start3A_526 = arith.constant 0 : i32
    %dma_start3A_527 = tpu.memref_slice %arg3[%add3A_520, %dma_start3A_526] : memref<16384x1000xf32, #tpu.memory_space<hbm>> -> memref<32x1000xf32, #tpu.memory_space<hbm>>
    %dma_start3A_528 = arith.constant 0 : i32
    %dma_start3A_529 = arith.constant 0 : i32
    %dma_start3A_530 = tpu.memref_slice %arg5[%dma_start3A_528, %dma_start3A_529] : memref<32x1000xf32, #tpu.memory_space<vmem>> -> memref<32x1000xf32, #tpu.memory_space<vmem>>
    tpu.enqueue_dma source(%dma_start3A_530 : memref<32x1000xf32, #tpu.memory_space<vmem>>) target(%dma_start3A_527 : memref<32x1000xf32, #tpu.memory_space<hbm>>) target_semaphore(%arg8 : memref<!tpu.dma_semaphore, #tpu.memory_space<semaphore_mem>>)
    %dma_wait3A_531 = arith.constant 0 : i32
    %dma_wait3A_532 = arith.constant 0 : i32
    %dma_wait3A_533 = tpu.memref_slice %arg5[%dma_wait3A_531, %dma_wait3A_532] : memref<32x1000xf32, #tpu.memory_space<vmem>> -> memref<32x1000xf32, #tpu.memory_space<vmem>>
    %dma_wait3A_534 = arith.constant 0 : i32
    %dma_wait3A_535 = tpu.memref_slice %arg3[%add3A_520, %dma_wait3A_534] : memref<16384x1000xf32, #tpu.memory_space<hbm>> -> memref<32x1000xf32, #tpu.memory_space<hbm>>
    %dma_wait3A_536 = arith.constant 0 : i32
    %dma_wait3A_537 = tpu.memref_slice %arg3[%add3A_520, %dma_wait3A_536] : memref<16384x1000xf32, #tpu.memory_space<hbm>> -> memref<32x1000xf32, #tpu.memory_space<hbm>>
    %dma_wait3A_538 = arith.constant 0 : i32
    %dma_wait3A_539 = arith.constant 0 : i32
    %dma_wait3A_540 = tpu.memref_slice %arg5[%dma_wait3A_538, %dma_wait3A_539] : memref<32x1000xf32, #tpu.memory_space<vmem>> -> memref<32x1000xf32, #tpu.memory_space<vmem>>
    tpu.wait_dma2 semaphore(%arg8 : memref<!tpu.dma_semaphore, #tpu.memory_space<semaphore_mem>>) src(%dma_wait3A_540 : memref<32x1000xf32, #tpu.memory_space<vmem>>) dst(%dma_wait3A_537 : memref<32x1000xf32, #tpu.memory_space<hbm>>)
    %dma_wait3A_541 = arith.constant 0 : i32
    %dma_wait3A_542 = arith.constant 0 : i32
    %dma_wait3A_543 = tpu.memref_slice %arg6[%dma_wait3A_541, %dma_wait3A_542] : memref<32x1000xf32, #tpu.memory_space<vmem>> -> memref<32x1000xf32, #tpu.memory_space<vmem>>
    %dma_wait3A_544 = arith.constant 0 : i32
    %dma_wait3A_545 = tpu.memref_slice %arg3[%add3A_452, %dma_wait3A_544] : memref<16384x1000xf32, #tpu.memory_space<hbm>> -> memref<32x1000xf32, #tpu.memory_space<hbm>>
    %dma_wait3A_546 = arith.constant 0 : i32
    %dma_wait3A_547 = tpu.memref_slice %arg3[%add3A_452, %dma_wait3A_546] : memref<16384x1000xf32, #tpu.memory_space<hbm>> -> memref<32x1000xf32, #tpu.memory_space<hbm>>
    %dma_wait3A_548 = arith.constant 0 : i32
    %dma_wait3A_549 = arith.constant 0 : i32
    %dma_wait3A_550 = tpu.memref_slice %arg6[%dma_wait3A_548, %dma_wait3A_549] : memref<32x1000xf32, #tpu.memory_space<vmem>> -> memref<32x1000xf32, #tpu.memory_space<vmem>>
    tpu.wait_dma2 semaphore(%arg9 : memref<!tpu.dma_semaphore, #tpu.memory_space<semaphore_mem>>) src(%dma_wait3A_550 : memref<32x1000xf32, #tpu.memory_space<vmem>>) dst(%dma_wait3A_547 : memref<32x1000xf32, #tpu.memory_space<hbm>>)
    %dma_wait3A_551 = arith.constant 0 : i32
    %dma_wait3A_552 = arith.constant 0 : i32
    %dma_wait3A_553 = tpu.memref_slice %arg7[%dma_wait3A_551, %dma_wait3A_552] : memref<32x1000xf32, #tpu.memory_space<vmem>> -> memref<32x1000xf32, #tpu.memory_space<vmem>>
    %dma_wait3A_554 = arith.constant 0 : i32
    %dma_wait3A_555 = tpu.memref_slice %arg3[%add3A_486, %dma_wait3A_554] : memref<16384x1000xf32, #tpu.memory_space<hbm>> -> memref<32x1000xf32, #tpu.memory_space<hbm>>
    %dma_wait3A_556 = arith.constant 0 : i32
    %dma_wait3A_557 = tpu.memref_slice %arg3[%add3A_486, %dma_wait3A_556] : memref<16384x1000xf32, #tpu.memory_space<hbm>> -> memref<32x1000xf32, #tpu.memory_space<hbm>>
    %dma_wait3A_558 = arith.constant 0 : i32
    %dma_wait3A_559 = arith.constant 0 : i32
    %dma_wait3A_560 = tpu.memref_slice %arg7[%dma_wait3A_558, %dma_wait3A_559] : memref<32x1000xf32, #tpu.memory_space<vmem>> -> memref<32x1000xf32, #tpu.memory_space<vmem>>
    tpu.wait_dma2 semaphore(%arg10 : memref<!tpu.dma_semaphore, #tpu.memory_space<semaphore_mem>>) src(%dma_wait3A_560 : memref<32x1000xf32, #tpu.memory_space<vmem>>) dst(%dma_wait3A_557 : memref<32x1000xf32, #tpu.memory_space<hbm>>)
    return
  }
}

</mosaic_0001>

<sc_bundles>
// kernel: _one_hot_sc.3.cloned.1.call-start
scs
__scs_entry_jumppad:
0x0: {  	(pc) =	sbr.rel $0x88, $3  }
0x1: {  	(tag) =	ssettag $0x0;
	lr =	simm.s32 $0x1  }
0x2: {  	[smem:$0x3FA0] =	sst lr;
	_ =	strace $0xD0000000  }
0x3: {  	_ = 	snop  }
0x4: {  	_ = 	snop  }
0x5: {  	_ = 	snop  }
0x6: {  	_ = 	snop  }
0x7: {  	_ = 	snop  }
__scs_overlays_trampoline_lowered:
0x8: {  	[smem:$0x3FAF] =	sst s0  }
0x9: {  	[smem:$0x3FB0] =	sst s1  }
0xa: {  	[smem:$0x3FB1] =	sst s2  }
0xb: {  	[smem:$0x3FB2] =	sst s3  }
0xc: {  	[smem:$0x3FB3] =	sst s4  }
0xd: {  	[smem:$0x3FB4] =	sst s5  }
0xe: {  	[smem:$0x3FB5] =	sst s6  }
0xf: {  	[smem:$0x3FB6] =	sst s7  }
0x10: {  	[smem:$0x3FB7] =	sst s8  }
0x11: {  	[smem:$0x3FB8] =	sst s9;
	s0 =	simm.s32 @!p0 $0x0  }
0x12: {  	s1 =	sld [smem:$0x3F9E];
	s0 =	simm.s32 @p0 $0x1  }
0x13: {  	[smem:$0x3FB9] =	sst s0;
	s0 =	simm.s32 @!p1 $0x0  }
0x14: {  	s2 =	sld [smem:$0x3F9D];
	s0 =	simm.s32 @p1 $0x1  }
0x15: {  	[smem:$0x3FBA] =	sst s0;
	s0 =	simm.s32 @!p2 $0x0  }
0x16: {  	s3 =	sld [smem:$0x3FDB];
	s0 =	simm.s32 @p2 $0x1  }
0x17: {  	s4 =	simm.s32 $0x1BF5;
	[smem:$0x3FBC] =	sst s0  }
0x18: {  	s0 =	sld [smem:$0x3F9F];
	_ =	swait.ge [sflag:s4], $0x0  }
0x19: {  	s7 =	sld [smem:$0x3FA0]  }
0x1a: {  	s8 =	sadd.s32 $0xFFFFE003, lr  }
0x1b: {  	s9 =	sadd.s32 $0xFFFFFEF7, lr;
	s5 =	simm.s32 $0xFFFFFFFF;
	p2 =	slt.u32 s8, $0xFFFFF086  }
0x1c: {  	p1 =	slt.u32 s9, $0xF7A;
	s5 =	simm.s32 @!p2 $0x0  }
0x1d: {  	s5 =	simm.s32 @p1 $0x1;
	p0 =	seq.s32 s7, s2  }
0x1e: {  	s7 =	smul.u32 @!p0 $0xF7A, s2;
	p2 =	seq.s32 @!p0 s5, $0x0  }
0x1f: {  	s9 =	smul.u32 $0xF7A, s1;
	s8 =	simm.s32 @!p0 $0x1BF5;
	p2 =	por !p2, p0  }
0x20: {  	[sflag:s8] =	ssyncset.s32 @!p0 $0xFFFFF086;
	s6 =	sadd.s32 @!p0 s3, s7;
	s7 =	simm.s32 @!p0 $0x108  }
0x21: {  	s3 =	sadd.s32 s3, s9;
	s6 =	sadd.s32 @!p0 $0x88, s6;
	s7 =	simm.s32 @p2 $0x1082  }
0x22: {  	[simem:s7], [sflag:s8] =	dma.local @!p0 [hbm:s6], $0xF7A  }
0x23: {  	s9 =	sor.u32 $0xD0000000, s2;
	s6 =	simm.s32 $0x108;
	_ =	swait.ge @!p0 [sflag:s8], $0x0  }
0x24: {  	s3 =	sadd.s32 $0x88, s3;
	s6 =	simm.s32 @!p1 $0x1082;
	[sflag:s4] =	ssyncset.s32 $0xFFFFF086  }
0x25: {  	[simem:s6], [sflag:s4] =	dma.local [hbm:s3], $0xF7A  }
0x26: {  	[smem:$0x3FA0] =	sst s1;
	(tag) =	ssettag s2;
	_ =	strace s9  }
0x27: {  	s1 =	sld [smem:$0x3FB0]  }
0x28: {  	s2 =	sld [smem:$0x3FB1]  }
0x29: {  	s4 =	sld [smem:$0x3FB3]  }
0x2a: {  	p0 =	seq.s32 s5, $0x0;
	s5 =	sld [smem:$0x3FB4]  }
0x2b: {  	s6 =	sld [smem:$0x3FB5]  }
0x2c: {  	s7 =	sld [smem:$0x3FB6]  }
0x2d: {  	s3 =	simm.s32 $0x108;
	s8 =	sld [smem:$0x3FB7]  }
0x2e: {  	s3 =	simm.s32 @!p0 $0x1082;
	s9 =	sld [smem:$0x3FB8]  }
0x2f: {  	lr =	sadd.s32 s0, s3;
	s0 =	sld [smem:$0x3FAF]  }
0x30: {  	s3 =	sld [smem:$0x3FB2]  }
0x31: {  	[smem:$0x3FBB] =	sst s10  }
0x32: {  	s10 =	sld [smem:$0x3FB9];
	_ =	sdelay $0x3  }
0x33: {  	p0 =	seq.s32 s10, $0x1;
	s10 =	sld [smem:$0x3FBB];
	_ =	sdelay $0x3  }
0x34: {  	[smem:$0x3FBB] =	sst s10  }
0x35: {  	s10 =	sld [smem:$0x3FBA];
	_ =	sdelay $0x3  }
0x36: {  	p1 =	seq.s32 s10, $0x1;
	s10 =	sld [smem:$0x3FBB];
	_ =	sdelay $0x3  }
0x37: {  	[smem:$0x3FBB] =	sst s10  }
0x38: {  	s10 =	sld [smem:$0x3FBC]  }
0x39: {  	_ = 	snop;
	(pc) =	sbr.ind lr, $3  }
0x3a: {  	_ = 	snop  }
0x3b: {  	_ = 	snop  }
0x3c: {  	p2 =	seq.s32 s10, $0x1;
	s10 =	sld [smem:$0x3FBB]  }
0x3d: {  	_ =	shalt  }
0x3e: {  	_ =	shalt  }
0x3f: {  	_ =	shalt  }
0x40: {  	_ =	shalt  }
0x41: {  	_ =	shalt  }
0x42: {  	_ =	shalt  }
0x43: {  	_ =	shalt  }
0x44: {  	_ =	shalt  }
0x45: {  	_ =	shalt  }
0x46: {  	_ =	shalt  }
0x47: {  	_ =	shalt  }
0x48: {  	_ =	shalt  }
0x49: {  	_ =	shalt  }
0x4a: {  	_ =	shalt  }
0x4b: {  	_ =	shalt  }
0x4c: {  	_ =	shalt  }
0x4d: {  	_ =	shalt  }
0x4e: {  	_ =	shalt  }
0x4f: {  	_ =	shalt  }
0x50: {  	_ =	shalt  }
0x51: {  	_ =	shalt  }
0x52: {  	_ =	shalt  }
0x53: {  	_ =	shalt  }
0x54: {  	_ =	shalt  }
0x55: {  	_ =	shalt  }
0x56: {  	_ =	shalt  }
0x57: {  	_ =	shalt  }
0x58: {  	_ =	shalt  }
0x59: {  	_ =	shalt  }
0x5a: {  	_ =	shalt  }
0x5b: {  	_ =	shalt  }
0x5c: {  	_ =	shalt  }
0x5d: {  	_ =	shalt  }
0x5e: {  	_ =	shalt  }
0x5f: {  	_ =	shalt  }
0x60: {  	_ =	shalt  }
0x61: {  	_ =	shalt  }
0x62: {  	_ =	shalt  }
0x63: {  	_ =	shalt  }
0x64: {  	_ =	shalt  }
0x65: {  	_ =	shalt  }
0x66: {  	_ =	shalt  }
0x67: {  	_ =	shalt  }
0x68: {  	_ =	shalt  }
0x69: {  	_ =	shalt  }
0x6a: {  	_ =	shalt  }
0x6b: {  	_ =	shalt  }
0x6c: {  	_ =	shalt  }
0x6d: {  	_ =	shalt  }
0x6e: {  	_ =	shalt  }
0x6f: {  	_ =	shalt  }
0x70: {  	_ =	shalt  }
0x71: {  	_ =	shalt  }
0x72: {  	_ =	shalt  }
0x73: {  	_ =	shalt  }
0x74: {  	_ =	shalt  }
0x75: {  	_ =	shalt  }
0x76: {  	_ =	shalt  }
0x77: {  	_ =	shalt  }
0x78: {  	_ =	shalt  }
0x79: {  	_ =	shalt  }
0x7a: {  	_ =	shalt  }
0x7b: {  	_ =	shalt  }
0x7c: {  	_ =	shalt  }
0x7d: {  	_ =	shalt  }
0x7e: {  	_ =	shalt  }
0x7f: {  	_ =	shalt  }
0x80: {  	_ =	shalt  }
0x81: {  	_ =	shalt  }
0x82: {  	_ =	shalt  }
0x83: {  	_ =	shalt  }
0x84: {  	_ =	shalt  }
0x85: {  	_ =	shalt  }
0x86: {  	_ =	shalt  }
0x87: {  	_ =	shalt  }
.Lfunc_end0:
.L_simem_size_0:
called_computation_lowered:
.L_overlay_start_0:
0x88: {  	s2 =	sld [smem:$0x3FD9]  }
0x89: {  	s3 =	sld [smem:$0x3FFE];
	_ =	sdelay $0x1  }
0x8a: {  	s1 =	srdreg.scid  }
0x8b: {  	s0 =	sand.u32 $0x1, s1  }
0x8c: {  	s17 =	sshll.u32 s0, $0xA;
	s2 =	sadd.s32 s3, s2  }
0x8d: {  	s2 =	sadd.s32 s2, s17  }
0x8e: {  	[smem:$0x3FC7] =	sst s2  }
0x8f: {  	_ = 	snop  }
0x90: {  	s2 =	sld [smem:$0x3FC9];
	(tm) =	ssettm $0x1  }
0x91: {  	s18 =	sld [smem:$0x3FFB];
	_ =	sdelay $0x3  }
0x92: {  	_ =	strace s18  }
0x93: {  	s3 =	sld [smem:$0x3FFC];
	_ =	sdelay $0x3  }
0x94: {  	_ =	strace s3  }
0x95: {  	s3 =	sld [smem:$0x3FFD];
	_ =	sdelay $0x3  }
0x96: {  	_ =	strace s3  }
0x97: {  	_ =	strace $0x8FFFFFFF  }
0x98: {  	s19 =	sld [smem:$0x3FDB];
	_ =	sdelay $0x1  }
0x99: {  	s4 =	simm.s32 $_scs_section_size  }
0x9a: {  	s5 =	simm.s32 $_size__tile_overlayer_lowered;
	s6 =	simm.s32 $_tile_overlayer_lowered  }
0x9b: {  	s22 =	simm.s32 $0x1BFF;
	s21 =	sshll.u32 s6, $0x1;
	s3 =	sadd.s32 s4, s19  }
0x9c: {  	s7 =	simm.s32 $0x0;
	s20 =	sshll.u32 s5, $0x1;
	s5 =	sadd.s32 s21, s3  }
0x9d: {  	[timem:s7], [sflag:s22] =	dma.local [hbm:s5], s20  }
0x9e: {  	_ =	swait.ge [sflag:s22], s20  }
0x9f: {  	s4 =	ssub.s32 $0x0, s20;
	[sflag:s22] =	ssyncset.done $0x0  }
0xa0: {  	[sflag:s22] =	ssyncadd.s32 s4;
	_ =	sdelay $0x1  }
0xa1: {  	s23 =	simm.s32 $0x1B8B  }
0xa2: {  	_ =	swait.ge [sflag:s23], $0x1  }
0xa3: {  	[sflag:s23] =	ssyncset.done $0x0  }
0xa4: {  	s25 =	simm.s32 $0x1B8E;
	s24 =	sld [smem:$0x3FFE];
	[sflag:s23] =	ssyncadd.s32 $0xFFFFFFFF  }
0xa5: {  	s26 =	simm.s32 $execute0_lowered;
	[smem:$0x3FD2] =	sst s25  }
0xa6: {  	s5 =	sshll.u32 s26, $0x1;
	_ =	strace $0x80000046;
	[dreg:$0x1] =	wrdreg $0xFFFFFFFF  }
0xa7: {  	s28 =	simm.s32 $_size_execute0_lowered;
	s3 =	sadd.s32 s3, s5;
	[dreg:$0x0] =	wrdreg $0x0  }
0xa8: {  	s5 =	sshll.u32 s28, $0x1;
	[dreg:$0x2] =	wrdreg s3  }
0xa9: {  	[dreg:$0x3] =	wrdreg s5  }
0xaa: {  	[dreg:$0x4] =	wrdreg $0xC0  }
0xab: {  	_ =	task [dreg:s7], $0x5FFFF  }
0xac: {  	[dreg:$0x1] =	wrdreg $0xFFFFFFFF  }
0xad: {  	[dreg:$0x0] =	wrdreg $0x60  }
0xae: {  	[dreg:$0x2] =	wrdreg s2  }
0xaf: {  	[dreg:$0x3] =	wrdreg s24  }
0xb0: {  	[dreg:$0x4] =	wrdreg $0x9  }
0xb1: {  	_ =	task.clear_ibuf [dreg:s7], $0x5FFFF;
	_ =	strace $0x90000046  }
0xb2: {  	s29 =	simm.s32 $0x9;
	_ =	strace $0x80000048  }
0xb3: {  	_ =	swait.ge [sflag:s29], $0x1  }
0xb4: {  	[sflag:s29] =	ssyncadd.s32 $0xFFFFFFFF  }
0xb5: {  	_ =	strace $0x90000048  }
0xb6: {  	_ =	sfence  }
0xb7: {  	s30 =	sld [smem:$0x0];
	_ =	sdelay $0x2  }
0xb8: {  	s31 =	sshll.u32 s1, $0xD;
	s1 =	sshrl.u32 s1, $0x2  }
0xb9: {  	s3 =	sand.u32 $0x4000, s31;
	s1 =	sadd.s32 s1, s30  }
0xba: {  	s0 =	sor.u32 s3, s0;
	s1 =	sshll.u32 s1, $0x11  }
0xbb: {  	s0 =	sor.u32 s1, s0  }
0xbc: {  	s0 =	sadd.s32 $0x8F2B, s0  }
0xbd: {  	[sflag:s0] =	ssyncadd.remote.s32 $0x1  }
0xbe: {  	_ =	sfence.sel $0xFFFF  }
0xbf: {  	[dreg:$0x0] =	wrdreg $0xFFFFFFFF;
	(pc) =	sbr.abs _section_cstart, $3  }
0xc0: {  	[dreg:$0x1] =	wrdreg $0xFFFFFFFF  }
0xc1: {  	_ =	task.clear_ibuf [dreg:s7], $0x2FFFF;
	_ =	strace $0x9FFFFFFF  }
0xc2: {  	(tm) =	ssettm $0x7FFFFFFF  }
0xc3: {  	_ =	shalt  }
tec
execute0_lowered:
.L_overlay_start_1:
0x0: {  	(tag) =	ssettag $0x1  }
0x1: {  	v0 =	vimm.f32 $0.0e+00  }
0x2: {  	s0 =	rddreg [dreg:$0x0];
	v1 =	vimm.s32 $0x2380;
	vm0 =	vcmask $0x300;
	v2 =	vimm.s32 $0x6380  }
0x3: {  	s1 =	rddreg [dreg:$0x1];
	s2 =	srdreg.scid;
	vm1 =	vcmask $0x704;
	v1 =	vsel vm0, $0x0, v1;
	v2 =	vsel vm0, $0x4000, v2  }
0x4: {  	s4 =	stileid.u32;
	vm15 =	vcmask $0xB08;
	s21 =	simm.s32 $0x4;
	s22 =	simm.s32 $0x200;
	v1 =	vsel vm1, $0x80, v1;
	v2 =	vsel vm1, $0x4080, v2  }
0x5: {  	vm4 =	vcmask $0xF0C;
	s23 =	simm.s32 $0x8200;
	s24 =	simm.s32 $0x10200;
	s25 =	simm.s32 $0x1;
	v1 =	vsel vm15, $0x100, v1;
	v2 =	vsel vm15, $0x4100, v2  }
0x6: {  	vm5 =	vcmask $0x1310;
	s26 =	simm.s32 $0x2;
	s28 =	simm.s32 $0x3;
	s29 =	simm.s32 $0x0;
	v1 =	vsel vm4, $0x180, v1;
	v2 =	vsel vm4, $0x4180, v2  }
0x7: {  	vm6 =	vcmask $0x1714;
	s3 =	sand.u32 $0x1, s2;
	s2 =	simm.s32 $0x0;
	s4 =	sshll.u32 s4, $0xA;
	v1 =	vsel vm5, $0x200, v1;
	v2 =	vsel vm5, $0x4200, v2  }
0x8: {  	vm7 =	vcmask $0x1B18;
	s5 =	sshll.u32 s3, $0x9;
	[smem:$0x7FF] =	sst s2;
	s3 =	ssub.s32 $0x2, s3;
	v1 =	vsel vm6, $0x280, v1;
	v2 =	vsel vm6, $0x4280, v2  }
0x9: {  	vm8 =	vcmask $0x1F1C;
	s4 =	sor.u32 s5, s4;
	_ =	strace $0x80000047;
	s30 =	sshrl.u32 s3, $0x1;
	v1 =	vsel vm7, $0x300, v1;
	v2 =	vsel vm7, $0x4300, v2  }
0xa: {  	vm9 =	vcmask $0x2320;
	s5 =	sshll.u32 s4, $0x7;
	s4 =	sshrl.u32 s4, $0x3;
	s20 =	ssub.s32 s3, s30;
	v1 =	vsel vm8, $0x380, v1;
	v2 =	vsel vm8, $0x4380, v2  }
0xb: {  	vm10 =	vcmask $0x2724;
	s1 =	sadd.s32 s5, s1;
	s0 =	sadd.s32 s0, s4;
	s20 =	smax.u32 s20, $0x1;
	v1 =	vsel vm9, $0x2000, v1;
	v2 =	vsel vm9, $0x6000, v2  }
0xc: {  	vm11 =	vcmask $0x2B28;
	[dreg:$0x3] =	wrdreg s0;
	s31 =	sadd.s32 $0x400, s1;
	s5 =	sadd.s32 $0x1400, s1;
	v1 =	vsel vm10, $0x2080, v1;
	v2 =	vsel vm10, $0x6080, v2  }
0xd: {  	vm12 =	vcmask $0x2F2C;
	s6 =	sadd.s32 $0x2400, s1;
	s7 =	sadd.s32 $0x3400, s1;
	s8 =	sadd.s32 $0x4400, s1;
	v1 =	vsel vm11, $0x2100, v1;
	v2 =	vsel vm11, $0x6100, v2  }
0xe: {  	vm13 =	vcmask $0x3330;
	s9 =	sadd.s32 $0x5400, s1;
	s10 =	sadd.s32 $0x6400, s1;
	s11 =	sadd.s32 $0x7400, s1;
	v1 =	vsel vm12, $0x2180, v1;
	v2 =	vsel vm12, $0x6180, v2  }
0xf: {  	vm14 =	vcmask $0x3734;
	s12 =	sadd.s32 $0x8400, s1;
	s13 =	sadd.s32 $0x9400, s1;
	s14 =	sadd.s32 $0xA400, s1;
	v1 =	vsel vm13, $0x2200, v1;
	v2 =	vsel vm13, $0x6200, v2  }
0x10: {  	vm15 =	vcmask $0x3B38;
	s15 =	sadd.s32 $0xB400, s1;
	s16 =	sadd.s32 $0xC400, s1;
	s17 =	sadd.s32 $0xD400, s1;
	v1 =	vsel vm14, $0x2280, v1;
	v3 =	vsel vm14, $0x6280, v2  }
0x11: {  	s18 =	sadd.s32 $0xE400, s1;
	s19 =	sadd.s32 $0xF400, s1;
	[dreg:$0x4] =	wrdreg s31;
	v2 =	vimm.f32 $1.000000000e+00;
	v1 =	vsel vm15, $0x2300, v1;
	v3 =	vsel vm15, $0x6300, v3  }
.LBB2_1:
0x12: {  	s0 =	rddreg [dreg:$0x3]  }
0x13: {  	[tilespmem:s2], [sflag:$0x4] =	stream.linear.gather [hbm4b:s0+s2], $0x200, $0x38;
	[tilespmem:$0x18200] =	vst v63  }
0x14: {  	_ =	swait.ge [sflag:s21], $0x200  }
0x15: {  	s30 =	simm.s32 $0xFFFF8000;
	s31 =	simm.s32 $0x0;
	[sflag:s21] =	ssyncset.done $0x0  }
0x16: {  	s1 =	simm.s32 $0x0;
	s0 =	simm.s32 $0x0;
	[sflag:s21] =	ssyncadd.s32 $0xFFFFFE00  }
.LBB2_2:
0x17: {  	s3 =	sadd.s32 $0x8000, s30  }
0x18: {  	s4 =	sand.u32 $0x380, s1;
	s3 =	sand.u32 $0x6000, s3  }
0x19: {  	s3 =	sor.u32 s4, s3  }
0x1a: {  	[tilespmem:s3+$0x200] =	vst v0  }
0x1b: {  	[tilespmem:s3+$0x210] =	vst v0  }
0x1c: {  	[tilespmem:s3+$0x220] =	vst v0  }
0x1d: {  	[tilespmem:s3+$0x230] =	vst v0  }
0x1e: {  	[tilespmem:s3+$0x240] =	vst v0  }
0x1f: {  	[tilespmem:s3+$0x250] =	vst v0  }
0x20: {  	[tilespmem:s3+$0x260] =	vst v0  }
0x21: {  	[tilespmem:s3+$0x270] =	vst v0  }
0x22: {  	[tilespmem:s3+$0x600] =	vst v0  }
0x23: {  	[tilespmem:s3+$0x610] =	vst v0  }
0x24: {  	[tilespmem:s3+$0x620] =	vst v0  }
0x25: {  	[tilespmem:s3+$0x630] =	vst v0  }
0x26: {  	[tilespmem:s3+$0x640] =	vst v0  }
0x27: {  	[tilespmem:s3+$0x650] =	vst v0  }
0x28: {  	[tilespmem:s3+$0x660] =	vst v0  }
0x29: {  	[tilespmem:s3+$0x670] =	vst v0  }
0x2a: {  	[tilespmem:s3+$0xA00] =	vst v0  }
0x2b: {  	[tilespmem:s3+$0xA10] =	vst v0  }
0x2c: {  	[tilespmem:s3+$0xA20] =	vst v0  }
0x2d: {  	[tilespmem:s3+$0xA30] =	vst v0  }
0x2e: {  	[tilespmem:s3+$0xA40] =	vst v0  }
0x2f: {  	[tilespmem:s3+$0xA50] =	vst v0  }
0x30: {  	[tilespmem:s3+$0xA60] =	vst v0  }
0x31: {  	[tilespmem:s3+$0xA70] =	vst v0  }
0x32: {  	[tilespmem:s3+$0xE00] =	vst v0  }
0x33: {  	[tilespmem:s3+$0xE10] =	vst v0  }
0x34: {  	[tilespmem:s3+$0xE20] =	vst v0  }
0x35: {  	[tilespmem:s3+$0xE30] =	vst v0  }
0x36: {  	[tilespmem:s3+$0xE40] =	vst v0  }
0x37: {  	[tilespmem:s3+$0xE50] =	vst v0  }
0x38: {  	[tilespmem:s3+$0xE60] =	vst v0  }
0x39: {  	[tilespmem:s3+$0xE70] =	vst v0  }
0x3a: {  	[tilespmem:s3+$0x1200] =	vst v0  }
0x3b: {  	[tilespmem:s3+$0x1210] =	vst v0  }
0x3c: {  	[tilespmem:s3+$0x1220] =	vst v0  }
0x3d: {  	[tilespmem:s3+$0x1230] =	vst v0  }
0x3e: {  	[tilespmem:s3+$0x1240] =	vst v0  }
0x3f: {  	[tilespmem:s3+$0x1250] =	vst v0  }
0x40: {  	[tilespmem:s3+$0x1260] =	vst v0  }
0x41: {  	[tilespmem:s3+$0x1270] =	vst v0  }
0x42: {  	[tilespmem:s3+$0x1600] =	vst v0  }
0x43: {  	[tilespmem:s3+$0x1610] =	vst v0  }
0x44: {  	[tilespmem:s3+$0x1620] =	vst v0  }
0x45: {  	[tilespmem:s3+$0x1630] =	vst v0  }
0x46: {  	[tilespmem:s3+$0x1640] =	vst v0  }
0x47: {  	[tilespmem:s3+$0x1650] =	vst v0  }
0x48: {  	[tilespmem:s3+$0x1660] =	vst v0  }
0x49: {  	[tilespmem:s3+$0x1670] =	vst v0  }
0x4a: {  	[tilespmem:s3+$0x1A00] =	vst v0  }
0x4b: {  	[tilespmem:s3+$0x1A10] =	vst v0  }
0x4c: {  	[tilespmem:s3+$0x1A20] =	vst v0  }
0x4d: {  	[tilespmem:s3+$0x1A30] =	vst v0  }
0x4e: {  	s4 =	sand.u32 $0x7, s31;
	[tilespmem:s3+$0x1A40] =	vst v0  }
0x4f: {  	s4 =	sshll.u32 s4, $0x7;
	[tilespmem:s3+$0x1A50] =	vst v0  }
0x50: {  	[tilespmem:s3+$0x1A60] =	vst v0;
	s4 =	sadd.s32 s4, s0  }
0x51: {  	[tilespmem:s3+$0x1A70] =	vst v0;
	s3 =	sor.u32 $0x1C00, s4  }
0x52: {  	[tilespmem:s3+$0x200] =	vst v0;
	s3 =	sor.u32 $0x1C10, s4  }
0x53: {  	p0 =	sne.s32 s1, $0xF80;
	[tilespmem:s3+$0x200] =	vst v0;
	s3 =	sor.u32 $0x1C20, s4  }
.Ltmp0:
0x54: {  	[tilespmem:s3+$0x200] =	vst v0;
	s3 =	sor.u32 $0x1C30, s4;
	(pc) =	sbr.rel @p0 .LBB2_2-.Ltmp0, $4  }
0x55: {  	[tilespmem:s3+$0x200] =	vst v0;
	s3 =	sor.u32 $0x1C40, s4  }
0x56: {  	[tilespmem:s3+$0x200] =	vst v0;
	s3 =	sor.u32 $0x1C50, s4  }
0x57: {  	s30 =	sadd.s32 $0x400, s30;
	s4 =	sor.u32 $0x1C58, s4;
	[tilespmem:s3+$0x200] =	vst v0  }
0x58: {  	s1 =	sadd.s32 $0x80, s1;
	s31 =	sadd.s32 $0x1, s31;
	s0 =	sadd.s32 $0x400, s0;
	[tilespmem:s4+$0x200] =	vst v0  }
0x59: {  	v4 =	vld [tilespmem:$0x0];
	_ =	sdelay $0x4  }
0x5a: {  	v5 =	vshll.u32 v4, $0x3  }
0x5b: {  	v4 =	vand.u32 $0x7F, v4;
	v5 =	vand.u32 $0xFFFFFC00, v5  }
0x5c: {  	v4 =	vor.u32 v4, v5  }
0x5d: {  	v4 =	vadd.s32 v1, v4;
	_ =	sdelay $0x4  }
0x5e: {  	[tilespmem:v4+s22+$0x0] =	vst.idx.msk $0xffff, v2  }
0x5f: {  	v5 =	vld [tilespmem:$0x10];
	_ =	sdelay $0x4  }
0x60: {  	v6 =	vshll.u32 v5, $0x3  }
0x61: {  	v5 =	vand.u32 $0x7F, v5;
	v6 =	vand.u32 $0xFFFFFC00, v6  }
0x62: {  	v5 =	vor.u32 v5, v6  }
0x63: {  	v5 =	vadd.s32 v3, v5;
	_ =	sdelay $0x4  }
0x64: {  	s30 =	simm.s32 $0x0;
	s0 =	rddreg [dreg:$0x4];
	[tilespmem:v5+s22+$0x0] =	vst.idx.msk $0xffff, v2  }
0x65: {  	[hbm4b:s0+s30] =	stream.linear.scatter [tilespmem:s22], [sflag:$0x1], $0x8000, $0x38;
	[tilespmem:$0x18200] =	vst v63  }
0x66: {  	s31 =	simm.s32 $0xFFFF8000;
	s1 =	simm.s32 $0x0;
	s0 =	simm.s32 $0x0  }
.LBB2_4:
0x67: {  	s3 =	sadd.s32 $0x8000, s31  }
0x68: {  	s4 =	sand.u32 $0x380, s1;
	s3 =	sand.u32 $0x6000, s3  }
0x69: {  	s3 =	sor.u32 s4, s3  }
0x6a: {  	[tilespmem:s3+$0x8200] =	vst v0  }
0x6b: {  	[tilespmem:s3+$0x8210] =	vst v0  }
0x6c: {  	[tilespmem:s3+$0x8220] =	vst v0  }
0x6d: {  	[tilespmem:s3+$0x8230] =	vst v0  }
0x6e: {  	[tilespmem:s3+$0x8240] =	vst v0  }
0x6f: {  	[tilespmem:s3+$0x8250] =	vst v0  }
0x70: {  	[tilespmem:s3+$0x8260] =	vst v0  }
0x71: {  	[tilespmem:s3+$0x8270] =	vst v0  }
0x72: {  	[tilespmem:s3+$0x8600] =	vst v0  }
0x73: {  	[tilespmem:s3+$0x8610] =	vst v0  }
0x74: {  	[tilespmem:s3+$0x8620] =	vst v0  }
0x75: {  	[tilespmem:s3+$0x8630] =	vst v0  }
0x76: {  	[tilespmem:s3+$0x8640] =	vst v0  }
0x77: {  	[tilespmem:s3+$0x8650] =	vst v0  }
0x78: {  	[tilespmem:s3+$0x8660] =	vst v0  }
0x79: {  	[tilespmem:s3+$0x8670] =	vst v0  }
0x7a: {  	[tilespmem:s3+$0x8A00] =	vst v0  }
0x7b: {  	[tilespmem:s3+$0x8A10] =	vst v0  }
0x7c: {  	[tilespmem:s3+$0x8A20] =	vst v0  }
0x7d: {  	[tilespmem:s3+$0x8A30] =	vst v0  }
0x7e: {  	[tilespmem:s3+$0x8A40] =	vst v0  }
0x7f: {  	[tilespmem:s3+$0x8A50] =	vst v0  }
0x80: {  	[tilespmem:s3+$0x8A60] =	vst v0  }
0x81: {  	[tilespmem:s3+$0x8A70] =	vst v0  }
0x82: {  	[tilespmem:s3+$0x8E00] =	vst v0  }
0x83: {  	[tilespmem:s3+$0x8E10] =	vst v0  }
0x84: {  	[tilespmem:s3+$0x8E20] =	vst v0  }
0x85: {  	[tilespmem:s3+$0x8E30] =	vst v0  }
0x86: {  	[tilespmem:s3+$0x8E40] =	vst v0  }
0x87: {  	[tilespmem:s3+$0x8E50] =	vst v0  }
0x88: {  	[tilespmem:s3+$0x8E60] =	vst v0  }
0x89: {  	[tilespmem:s3+$0x8E70] =	vst v0  }
0x8a: {  	[tilespmem:s3+$0x9200] =	vst v0  }
0x8b: {  	[tilespmem:s3+$0x9210] =	vst v0  }
0x8c: {  	[tilespmem:s3+$0x9220] =	vst v0  }
0x8d: {  	[tilespmem:s3+$0x9230] =	vst v0  }
0x8e: {  	[tilespmem:s3+$0x9240] =	vst v0  }
0x8f: {  	[tilespmem:s3+$0x9250] =	vst v0  }
0x90: {  	[tilespmem:s3+$0x9260] =	vst v0  }
0x91: {  	[tilespmem:s3+$0x9270] =	vst v0  }
0x92: {  	[tilespmem:s3+$0x9600] =	vst v0  }
0x93: {  	[tilespmem:s3+$0x9610] =	vst v0  }
0x94: {  	[tilespmem:s3+$0x9620] =	vst v0  }
0x95: {  	[tilespmem:s3+$0x9630] =	vst v0  }
0x96: {  	[tilespmem:s3+$0x9640] =	vst v0  }
0x97: {  	[tilespmem:s3+$0x9650] =	vst v0  }
0x98: {  	[tilespmem:s3+$0x9660] =	vst v0  }
0x99: {  	[tilespmem:s3+$0x9670] =	vst v0  }
0x9a: {  	[tilespmem:s3+$0x9A00] =	vst v0  }
0x9b: {  	[tilespmem:s3+$0x9A10] =	vst v0  }
0x9c: {  	[tilespmem:s3+$0x9A20] =	vst v0  }
0x9d: {  	[tilespmem:s3+$0x9A30] =	vst v0  }
0x9e: {  	s4 =	sand.u32 $0x7, s30;
	[tilespmem:s3+$0x9A40] =	vst v0  }
0x9f: {  	s4 =	sshll.u32 s4, $0x7;
	[tilespmem:s3+$0x9A50] =	vst v0  }
0xa0: {  	[tilespmem:s3+$0x9A60] =	vst v0;
	s4 =	sadd.s32 s4, s0  }
0xa1: {  	[tilespmem:s3+$0x9A70] =	vst v0;
	s3 =	sor.u32 $0x1C00, s4  }
0xa2: {  	[tilespmem:s3+$0x8200] =	vst v0;
	s3 =	sor.u32 $0x1C10, s4  }
0xa3: {  	p0 =	sne.s32 s1, $0xF80;
	[tilespmem:s3+$0x8200] =	vst v0;
	s3 =	sor.u32 $0x1C20, s4  }
.Ltmp1:
0xa4: {  	[tilespmem:s3+$0x8200] =	vst v0;
	s3 =	sor.u32 $0x1C30, s4;
	(pc) =	sbr.rel @p0 .LBB2_4-.Ltmp1, $4  }
0xa5: {  	[tilespmem:s3+$0x8200] =	vst v0;
	s3 =	sor.u32 $0x1C40, s4  }
0xa6: {  	[tilespmem:s3+$0x8200] =	vst v0;
	s3 =	sor.u32 $0x1C50, s4  }
0xa7: {  	s31 =	sadd.s32 $0x400, s31;
	s4 =	sor.u32 $0x1C58, s4;
	[tilespmem:s3+$0x8200] =	vst v0  }
0xa8: {  	s1 =	sadd.s32 $0x80, s1;
	s30 =	sadd.s32 $0x1, s30;
	s0 =	sadd.s32 $0x400, s0;
	[tilespmem:s4+$0x8200] =	vst v0  }
0xa9: {  	v6 =	vld [tilespmem:$0x20];
	_ =	sdelay $0x4  }
0xaa: {  	v7 =	vshll.u32 v6, $0x3  }
0xab: {  	v6 =	vand.u32 $0x7F, v6;
	v7 =	vand.u32 $0xFFFFFC00, v7  }
0xac: {  	v6 =	vor.u32 v6, v7  }
0xad: {  	v6 =	vadd.s32 v1, v6;
	_ =	sdelay $0x4  }
0xae: {  	[tilespmem:v6+s23+$0x0] =	vst.idx.msk $0xffff, v2  }
0xaf: {  	v7 =	vld [tilespmem:$0x30];
	_ =	sdelay $0x4  }
0xb0: {  	v8 =	vshll.u32 v7, $0x3  }
0xb1: {  	v7 =	vand.u32 $0x7F, v7;
	v8 =	vand.u32 $0xFFFFFC00, v8  }
0xb2: {  	v7 =	vor.u32 v7, v8  }
0xb3: {  	v7 =	vadd.s32 v3, v7;
	_ =	sdelay $0x3  }
0xb4: {  	s30 =	simm.s32 $0x0  }
0xb5: {  	s31 =	simm.s32 $0xFFFF8000;
	s0 =	simm.s32 $0x0;
	s1 =	simm.s32 $0x0;
	[tilespmem:v7+s23+$0x0] =	vst.idx.msk $0xffff, v2  }
0xb6: {  	[hbm4b:s5+s30] =	stream.linear.scatter [tilespmem:s23], [sflag:$0x2], $0x8000, $0x38;
	[tilespmem:$0x18200] =	vst v63  }
.LBB2_6:
0xb7: {  	s3 =	sadd.s32 $0x8000, s31  }
0xb8: {  	s4 =	sand.u32 $0x380, s1;
	s3 =	sand.u32 $0x6000, s3  }
0xb9: {  	s3 =	sor.u32 s4, s3  }
0xba: {  	s4 =	sadd.s32 $0x10200, s3;
	[tilespmem:s3+$0x10200] =	vst v0  }
0xbb: {  	[tilespmem:s4+$0x10] =	vst v0  }
0xbc: {  	[tilespmem:s4+$0x20] =	vst v0  }
0xbd: {  	[tilespmem:s4+$0x30] =	vst v0  }
0xbe: {  	[tilespmem:s4+$0x40] =	vst v0  }
0xbf: {  	[tilespmem:s4+$0x50] =	vst v0  }
0xc0: {  	[tilespmem:s4+$0x60] =	vst v0  }
0xc1: {  	[tilespmem:s4+$0x70] =	vst v0  }
0xc2: {  	[tilespmem:s4+$0x400] =	vst v0  }
0xc3: {  	[tilespmem:s4+$0x410] =	vst v0  }
0xc4: {  	[tilespmem:s4+$0x420] =	vst v0  }
0xc5: {  	[tilespmem:s4+$0x430] =	vst v0  }
0xc6: {  	[tilespmem:s4+$0x440] =	vst v0  }
0xc7: {  	[tilespmem:s4+$0x450] =	vst v0  }
0xc8: {  	[tilespmem:s4+$0x460] =	vst v0  }
0xc9: {  	[tilespmem:s4+$0x470] =	vst v0  }
0xca: {  	[tilespmem:s4+$0x800] =	vst v0  }
0xcb: {  	[tilespmem:s4+$0x810] =	vst v0  }
0xcc: {  	[tilespmem:s4+$0x820] =	vst v0  }
0xcd: {  	[tilespmem:s4+$0x830] =	vst v0  }
0xce: {  	[tilespmem:s4+$0x840] =	vst v0  }
0xcf: {  	[tilespmem:s4+$0x850] =	vst v0  }
0xd0: {  	[tilespmem:s4+$0x860] =	vst v0  }
0xd1: {  	[tilespmem:s4+$0x870] =	vst v0  }
0xd2: {  	[tilespmem:s4+$0xC00] =	vst v0  }
0xd3: {  	[tilespmem:s4+$0xC10] =	vst v0  }
0xd4: {  	[tilespmem:s4+$0xC20] =	vst v0  }
0xd5: {  	[tilespmem:s4+$0xC30] =	vst v0  }
0xd6: {  	[tilespmem:s4+$0xC40] =	vst v0  }
0xd7: {  	[tilespmem:s4+$0xC50] =	vst v0  }
0xd8: {  	[tilespmem:s4+$0xC60] =	vst v0  }
0xd9: {  	[tilespmem:s4+$0xC70] =	vst v0  }
0xda: {  	[tilespmem:s4+$0x1000] =	vst v0  }
0xdb: {  	[tilespmem:s4+$0x1010] =	vst v0  }
0xdc: {  	[tilespmem:s4+$0x1020] =	vst v0  }
0xdd: {  	[tilespmem:s4+$0x1030] =	vst v0  }
0xde: {  	[tilespmem:s4+$0x1040] =	vst v0  }
0xdf: {  	[tilespmem:s4+$0x1050] =	vst v0  }
0xe0: {  	[tilespmem:s4+$0x1060] =	vst v0  }
0xe1: {  	[tilespmem:s4+$0x1070] =	vst v0  }
0xe2: {  	[tilespmem:s4+$0x1400] =	vst v0  }
0xe3: {  	[tilespmem:s4+$0x1410] =	vst v0  }
0xe4: {  	[tilespmem:s4+$0x1420] =	vst v0  }
0xe5: {  	[tilespmem:s4+$0x1430] =	vst v0  }
0xe6: {  	[tilespmem:s4+$0x1440] =	vst v0  }
0xe7: {  	[tilespmem:s4+$0x1450] =	vst v0  }
0xe8: {  	[tilespmem:s4+$0x1460] =	vst v0  }
0xe9: {  	[tilespmem:s4+$0x1470] =	vst v0  }
0xea: {  	[tilespmem:s4+$0x1800] =	vst v0  }
0xeb: {  	[tilespmem:s4+$0x1810] =	vst v0  }
0xec: {  	[tilespmem:s4+$0x1820] =	vst v0  }
0xed: {  	[tilespmem:s4+$0x1830] =	vst v0  }
0xee: {  	s3 =	sand.u32 $0x7, s30;
	[tilespmem:s4+$0x1840] =	vst v0  }
0xef: {  	s3 =	sshll.u32 s3, $0x7;
	[tilespmem:s4+$0x1850] =	vst v0  }
0xf0: {  	[tilespmem:s4+$0x1860] =	vst v0;
	s3 =	sadd.s32 s3, s0  }
0xf1: {  	[tilespmem:s4+$0x1870] =	vst v0;
	s4 =	sor.u32 $0x1C00, s3  }
0xf2: {  	[tilespmem:s4+$0x10200] =	vst v0;
	s4 =	sor.u32 $0x1C10, s3  }
0xf3: {  	p0 =	sne.s32 s1, $0xF80;
	[tilespmem:s4+$0x10200] =	vst v0;
	s4 =	sor.u32 $0x1C20, s3  }
.Ltmp2:
0xf4: {  	[tilespmem:s4+$0x10200] =	vst v0;
	s4 =	sor.u32 $0x1C30, s3;
	(pc) =	sbr.rel @p0 .LBB2_6-.Ltmp2, $4  }
0xf5: {  	[tilespmem:s4+$0x10200] =	vst v0;
	s4 =	sor.u32 $0x1C40, s3  }
0xf6: {  	[tilespmem:s4+$0x10200] =	vst v0;
	s4 =	sor.u32 $0x1C50, s3  }
0xf7: {  	s31 =	sadd.s32 $0x400, s31;
	s3 =	sor.u32 $0x1C58, s3;
	[tilespmem:s4+$0x10200] =	vst v0  }
0xf8: {  	s1 =	sadd.s32 $0x80, s1;
	s30 =	sadd.s32 $0x1, s30;
	s0 =	sadd.s32 $0x400, s0;
	[tilespmem:s3+$0x10200] =	vst v0  }
0xf9: {  	v8 =	vld [tilespmem:$0x40];
	_ =	sdelay $0x4  }
0xfa: {  	v9 =	vshll.u32 v8, $0x3  }
0xfb: {  	v8 =	vand.u32 $0x7F, v8;
	v9 =	vand.u32 $0xFFFFFC00, v9  }
0xfc: {  	v8 =	vor.u32 v8, v9  }
0xfd: {  	v8 =	vadd.s32 v1, v8;
	_ =	sdelay $0x4  }
0xfe: {  	[tilespmem:v8+s24+$0x0] =	vst.idx.msk $0xffff, v2  }
0xff: {  	v36 =	vld [tilespmem:$0x50];
	_ =	sdelay $0x4  }
0x100: {  	v10 =	vshll.u32 v36, $0x3  }
0x101: {  	v9 =	vand.u32 $0x7F, v36;
	v10 =	vand.u32 $0xFFFFFC00, v10  }
0x102: {  	v9 =	vor.u32 v9, v10  }
0x103: {  	v9 =	vadd.s32 v3, v9;
	_ =	sdelay $0x4  }
0x104: {  	[tilespmem:v9+s24+$0x0] =	vst.idx.msk $0xffff, v2  }
0x105: {  	[hbm4b:s6+s2] =	stream.linear.scatter [tilespmem:s24], [sflag:$0x3], $0x8000, $0x38;
	[tilespmem:$0x18200] =	vst v63  }
0x106: {  	_ =	swait.ge [sflag:s25], $0x8000  }
0x107: {  	[sflag:s25] =	ssyncset.done $0x0  }
0x108: {  	[sflag:s25] =	ssyncadd.s32 $0xFFFF8000  }
0x109: {  	[tilespmem:v4+s22+$0x0] =	vst.idx.msk $0xffff, v0  }
0x10a: {  	[tilespmem:v5+s22+$0x0] =	vst.idx.msk $0xffff, v0  }
0x10b: {  	v4 =	vld [tilespmem:$0x60];
	_ =	sdelay $0x4  }
0x10c: {  	v5 =	vshll.u32 v4, $0x3  }
0x10d: {  	v4 =	vand.u32 $0x7F, v4;
	v5 =	vand.u32 $0xFFFFFC00, v5  }
0x10e: {  	v4 =	vor.u32 v4, v5  }
0x10f: {  	v4 =	vadd.s32 v1, v4;
	_ =	sdelay $0x4  }
0x110: {  	[tilespmem:v4+s22+$0x0] =	vst.idx.msk $0xffff, v2  }
0x111: {  	v5 =	vld [tilespmem:$0x70];
	_ =	sdelay $0x4  }
0x112: {  	v37 =	vshll.u32 v5, $0x3  }
0x113: {  	v5 =	vand.u32 $0x7F, v5;
	v10 =	vand.u32 $0xFFFFFC00, v37  }
0x114: {  	v5 =	vor.u32 v5, v10  }
0x115: {  	v5 =	vadd.s32 v3, v5;
	_ =	sdelay $0x4  }
0x116: {  	[tilespmem:v5+s22+$0x0] =	vst.idx.msk $0xffff, v2  }
0x117: {  	[hbm4b:s7+s2] =	stream.linear.scatter [tilespmem:s22], [sflag:$0x1], $0x8000, $0x38;
	[tilespmem:$0x18200] =	vst v63  }
0x118: {  	_ =	swait.ge [sflag:s26], $0x8000  }
0x119: {  	[sflag:s26] =	ssyncset.done $0x0  }
0x11a: {  	[sflag:s26] =	ssyncadd.s32 $0xFFFF8000  }
0x11b: {  	[tilespmem:v6+s23+$0x0] =	vst.idx.msk $0xffff, v0  }
0x11c: {  	[tilespmem:v7+s23+$0x0] =	vst.idx.msk $0xffff, v0  }
0x11d: {  	v6 =	vld [tilespmem:$0x80];
	_ =	sdelay $0x4  }
0x11e: {  	v38 =	vshll.u32 v6, $0x3  }
0x11f: {  	v6 =	vand.u32 $0x7F, v6;
	v7 =	vand.u32 $0xFFFFFC00, v38  }
0x120: {  	v6 =	vor.u32 v6, v7  }
0x121: {  	v6 =	vadd.s32 v1, v6;
	_ =	sdelay $0x4  }
0x122: {  	[tilespmem:v6+s23+$0x0] =	vst.idx.msk $0xffff, v2  }
0x123: {  	v39 =	vld [tilespmem:$0x90];
	_ =	sdelay $0x4  }
0x124: {  	v40 =	vshll.u32 v39, $0x3  }
0x125: {  	v7 =	vand.u32 $0x7F, v39;
	v10 =	vand.u32 $0xFFFFFC00, v40  }
0x126: {  	v7 =	vor.u32 v7, v10  }
0x127: {  	v7 =	vadd.s32 v3, v7;
	_ =	sdelay $0x4  }
0x128: {  	[tilespmem:v7+s23+$0x0] =	vst.idx.msk $0xffff, v2  }
0x129: {  	[hbm4b:s8+s2] =	stream.linear.scatter [tilespmem:s23], [sflag:$0x2], $0x8000, $0x38;
	[tilespmem:$0x18200] =	vst v63  }
0x12a: {  	_ =	swait.ge [sflag:s28], $0x8000  }
0x12b: {  	[sflag:s28] =	ssyncset.done $0x0  }
0x12c: {  	[sflag:s28] =	ssyncadd.s32 $0xFFFF8000  }
0x12d: {  	[tilespmem:v8+s24+$0x0] =	vst.idx.msk $0xffff, v0  }
0x12e: {  	[tilespmem:v9+s24+$0x0] =	vst.idx.msk $0xffff, v0  }
0x12f: {  	v8 =	vld [tilespmem:$0xA0];
	_ =	sdelay $0x4  }
0x130: {  	v41 =	vshll.u32 v8, $0x3  }
0x131: {  	v8 =	vand.u32 $0x7F, v8;
	v9 =	vand.u32 $0xFFFFFC00, v41  }
0x132: {  	v8 =	vor.u32 v8, v9  }
0x133: {  	v8 =	vadd.s32 v1, v8;
	_ =	sdelay $0x4  }
0x134: {  	[tilespmem:v8+s24+$0x0] =	vst.idx.msk $0xffff, v2  }
0x135: {  	v42 =	vld [tilespmem:$0xB0];
	_ =	sdelay $0x4  }
0x136: {  	v43 =	vshll.u32 v42, $0x3  }
0x137: {  	v9 =	vand.u32 $0x7F, v42;
	v10 =	vand.u32 $0xFFFFFC00, v43  }
0x138: {  	v9 =	vor.u32 v9, v10  }
0x139: {  	v9 =	vadd.s32 v3, v9;
	_ =	sdelay $0x4  }
0x13a: {  	[tilespmem:v9+s24+$0x0] =	vst.idx.msk $0xffff, v2  }
0x13b: {  	[hbm4b:s9+s2] =	stream.linear.scatter [tilespmem:s24], [sflag:$0x3], $0x8000, $0x38;
	[tilespmem:$0x18200] =	vst v63  }
0x13c: {  	_ =	swait.ge [sflag:s25], $0x8000  }
0x13d: {  	[sflag:s25] =	ssyncset.done $0x0  }
0x13e: {  	[sflag:s25] =	ssyncadd.s32 $0xFFFF8000  }
0x13f: {  	[tilespmem:v4+s22+$0x0] =	vst.idx.msk $0xffff, v0  }
0x140: {  	[tilespmem:v5+s22+$0x0] =	vst.idx.msk $0xffff, v0  }
0x141: {  	v4 =	vld [tilespmem:$0xC0];
	_ =	sdelay $0x4  }
0x142: {  	v5 =	vshll.u32 v4, $0x3  }
0x143: {  	v4 =	vand.u32 $0x7F, v4;
	v5 =	vand.u32 $0xFFFFFC00, v5  }
0x144: {  	v4 =	vor.u32 v4, v5  }
0x145: {  	v4 =	vadd.s32 v1, v4;
	_ =	sdelay $0x4  }
0x146: {  	[tilespmem:v4+s22+$0x0] =	vst.idx.msk $0xffff, v2  }
0x147: {  	v5 =	vld [tilespmem:$0xD0];
	_ =	sdelay $0x4  }
0x148: {  	v44 =	vshll.u32 v5, $0x3  }
0x149: {  	v5 =	vand.u32 $0x7F, v5;
	v10 =	vand.u32 $0xFFFFFC00, v44  }
0x14a: {  	v5 =	vor.u32 v5, v10  }
0x14b: {  	v5 =	vadd.s32 v3, v5;
	_ =	sdelay $0x4  }
0x14c: {  	[tilespmem:v5+s22+$0x0] =	vst.idx.msk $0xffff, v2  }
0x14d: {  	[hbm4b:s10+s2] =	stream.linear.scatter [tilespmem:s22], [sflag:$0x1], $0x8000, $0x38;
	[tilespmem:$0x18200] =	vst v63  }
0x14e: {  	_ =	swait.ge [sflag:s26], $0x8000  }
0x14f: {  	[sflag:s26] =	ssyncset.done $0x0  }
0x150: {  	[sflag:s26] =	ssyncadd.s32 $0xFFFF8000  }
0x151: {  	[tilespmem:v6+s23+$0x0] =	vst.idx.msk $0xffff, v0  }
0x152: {  	[tilespmem:v7+s23+$0x0] =	vst.idx.msk $0xffff, v0  }
0x153: {  	v6 =	vld [tilespmem:$0xE0];
	_ =	sdelay $0x4  }
0x154: {  	v45 =	vshll.u32 v6, $0x3  }
0x155: {  	v6 =	vand.u32 $0x7F, v6;
	v7 =	vand.u32 $0xFFFFFC00, v45  }
0x156: {  	v6 =	vor.u32 v6, v7  }
0x157: {  	v6 =	vadd.s32 v1, v6;
	_ =	sdelay $0x4  }
0x158: {  	[tilespmem:v6+s23+$0x0] =	vst.idx.msk $0xffff, v2  }
0x159: {  	v46 =	vld [tilespmem:$0xF0];
	_ =	sdelay $0x4  }
0x15a: {  	v47 =	vshll.u32 v46, $0x3  }
0x15b: {  	v7 =	vand.u32 $0x7F, v46;
	v10 =	vand.u32 $0xFFFFFC00, v47  }
0x15c: {  	v7 =	vor.u32 v7, v10  }
0x15d: {  	v7 =	vadd.s32 v3, v7;
	_ =	sdelay $0x4  }
0x15e: {  	[tilespmem:v7+s23+$0x0] =	vst.idx.msk $0xffff, v2  }
0x15f: {  	[hbm4b:s11+s2] =	stream.linear.scatter [tilespmem:s23], [sflag:$0x2], $0x8000, $0x38;
	[tilespmem:$0x18200] =	vst v63  }
0x160: {  	_ =	swait.ge [sflag:s28], $0x8000  }
0x161: {  	[sflag:s28] =	ssyncset.done $0x0  }
0x162: {  	[sflag:s28] =	ssyncadd.s32 $0xFFFF8000  }
0x163: {  	[tilespmem:v8+s24+$0x0] =	vst.idx.msk $0xffff, v0  }
0x164: {  	[tilespmem:v9+s24+$0x0] =	vst.idx.msk $0xffff, v0  }
0x165: {  	v8 =	vld [tilespmem:$0x100];
	_ =	sdelay $0x4  }
0x166: {  	v48 =	vshll.u32 v8, $0x3  }
0x167: {  	v8 =	vand.u32 $0x7F, v8;
	v9 =	vand.u32 $0xFFFFFC00, v48  }
0x168: {  	v8 =	vor.u32 v8, v9  }
0x169: {  	v8 =	vadd.s32 v1, v8;
	_ =	sdelay $0x4  }
0x16a: {  	[tilespmem:v8+s24+$0x0] =	vst.idx.msk $0xffff, v2  }
0x16b: {  	v49 =	vld [tilespmem:$0x110];
	_ =	sdelay $0x4  }
0x16c: {  	v50 =	vshll.u32 v49, $0x3  }
0x16d: {  	v9 =	vand.u32 $0x7F, v49;
	v10 =	vand.u32 $0xFFFFFC00, v50  }
0x16e: {  	v9 =	vor.u32 v9, v10  }
0x16f: {  	v9 =	vadd.s32 v3, v9;
	_ =	sdelay $0x4  }
0x170: {  	[tilespmem:v9+s24+$0x0] =	vst.idx.msk $0xffff, v2  }
0x171: {  	[hbm4b:s12+s2] =	stream.linear.scatter [tilespmem:s24], [sflag:$0x3], $0x8000, $0x38;
	[tilespmem:$0x18200] =	vst v63  }
0x172: {  	_ =	swait.ge [sflag:s25], $0x8000  }
0x173: {  	[sflag:s25] =	ssyncset.done $0x0  }
0x174: {  	[sflag:s25] =	ssyncadd.s32 $0xFFFF8000  }
0x175: {  	[tilespmem:v4+s22+$0x0] =	vst.idx.msk $0xffff, v0  }
0x176: {  	[tilespmem:v5+s22+$0x0] =	vst.idx.msk $0xffff, v0  }
0x177: {  	v4 =	vld [tilespmem:$0x120];
	_ =	sdelay $0x4  }
0x178: {  	v5 =	vshll.u32 v4, $0x3  }
0x179: {  	v4 =	vand.u32 $0x7F, v4;
	v5 =	vand.u32 $0xFFFFFC00, v5  }
0x17a: {  	v4 =	vor.u32 v4, v5  }
0x17b: {  	v4 =	vadd.s32 v1, v4;
	_ =	sdelay $0x4  }
0x17c: {  	[tilespmem:v4+s22+$0x0] =	vst.idx.msk $0xffff, v2  }
0x17d: {  	v5 =	vld [tilespmem:$0x130];
	_ =	sdelay $0x4  }
0x17e: {  	v51 =	vshll.u32 v5, $0x3  }
0x17f: {  	v5 =	vand.u32 $0x7F, v5;
	v10 =	vand.u32 $0xFFFFFC00, v51  }
0x180: {  	v5 =	vor.u32 v5, v10  }
0x181: {  	v5 =	vadd.s32 v3, v5;
	_ =	sdelay $0x4  }
0x182: {  	[tilespmem:v5+s22+$0x0] =	vst.idx.msk $0xffff, v2  }
0x183: {  	[hbm4b:s13+s2] =	stream.linear.scatter [tilespmem:s22], [sflag:$0x1], $0x8000, $0x38;
	[tilespmem:$0x18200] =	vst v63  }
0x184: {  	_ =	swait.ge [sflag:s26], $0x8000  }
0x185: {  	[sflag:s26] =	ssyncset.done $0x0  }
0x186: {  	[sflag:s26] =	ssyncadd.s32 $0xFFFF8000  }
0x187: {  	[tilespmem:v6+s23+$0x0] =	vst.idx.msk $0xffff, v0  }
0x188: {  	[tilespmem:v7+s23+$0x0] =	vst.idx.msk $0xffff, v0  }
0x189: {  	v6 =	vld [tilespmem:$0x140];
	_ =	sdelay $0x4  }
0x18a: {  	v52 =	vshll.u32 v6, $0x3  }
0x18b: {  	v6 =	vand.u32 $0x7F, v6;
	v7 =	vand.u32 $0xFFFFFC00, v52  }
0x18c: {  	v6 =	vor.u32 v6, v7  }
0x18d: {  	v6 =	vadd.s32 v1, v6;
	_ =	sdelay $0x4  }
0x18e: {  	[tilespmem:v6+s23+$0x0] =	vst.idx.msk $0xffff, v2  }
0x18f: {  	v53 =	vld [tilespmem:$0x150];
	_ =	sdelay $0x4  }
0x190: {  	v54 =	vshll.u32 v53, $0x3  }
0x191: {  	v7 =	vand.u32 $0x7F, v53;
	v10 =	vand.u32 $0xFFFFFC00, v54  }
0x192: {  	v7 =	vor.u32 v7, v10  }
0x193: {  	v7 =	vadd.s32 v3, v7;
	_ =	sdelay $0x4  }
0x194: {  	[tilespmem:v7+s23+$0x0] =	vst.idx.msk $0xffff, v2  }
0x195: {  	[hbm4b:s14+s2] =	stream.linear.scatter [tilespmem:s23], [sflag:$0x2], $0x8000, $0x38;
	[tilespmem:$0x18200] =	vst v63  }
0x196: {  	_ =	swait.ge [sflag:s28], $0x8000  }
0x197: {  	[sflag:s28] =	ssyncset.done $0x0  }
0x198: {  	[sflag:s28] =	ssyncadd.s32 $0xFFFF8000  }
0x199: {  	[tilespmem:v8+s24+$0x0] =	vst.idx.msk $0xffff, v0  }
0x19a: {  	[tilespmem:v9+s24+$0x0] =	vst.idx.msk $0xffff, v0  }
0x19b: {  	v8 =	vld [tilespmem:$0x160];
	_ =	sdelay $0x4  }
0x19c: {  	v55 =	vshll.u32 v8, $0x3  }
0x19d: {  	v8 =	vand.u32 $0x7F, v8;
	v9 =	vand.u32 $0xFFFFFC00, v55  }
0x19e: {  	v8 =	vor.u32 v8, v9  }
0x19f: {  	v8 =	vadd.s32 v1, v8;
	_ =	sdelay $0x4  }
0x1a0: {  	[tilespmem:v8+s24+$0x0] =	vst.idx.msk $0xffff, v2  }
0x1a1: {  	v56 =	vld [tilespmem:$0x170];
	_ =	sdelay $0x4  }
0x1a2: {  	v57 =	vshll.u32 v56, $0x3  }
0x1a3: {  	v9 =	vand.u32 $0x7F, v56;
	v10 =	vand.u32 $0xFFFFFC00, v57  }
0x1a4: {  	v9 =	vor.u32 v9, v10  }
0x1a5: {  	v9 =	vadd.s32 v3, v9;
	_ =	sdelay $0x4  }
0x1a6: {  	[tilespmem:v9+s24+$0x0] =	vst.idx.msk $0xffff, v2  }
0x1a7: {  	[hbm4b:s15+s2] =	stream.linear.scatter [tilespmem:s24], [sflag:$0x3], $0x8000, $0x38;
	[tilespmem:$0x18200] =	vst v63  }
0x1a8: {  	_ =	swait.ge [sflag:s25], $0x8000  }
0x1a9: {  	[sflag:s25] =	ssyncset.done $0x0  }
0x1aa: {  	[sflag:s25] =	ssyncadd.s32 $0xFFFF8000  }
0x1ab: {  	[tilespmem:v4+s22+$0x0] =	vst.idx.msk $0xffff, v0  }
0x1ac: {  	[tilespmem:v5+s22+$0x0] =	vst.idx.msk $0xffff, v0  }
0x1ad: {  	v4 =	vld [tilespmem:$0x180];
	_ =	sdelay $0x4  }
0x1ae: {  	v5 =	vshll.u32 v4, $0x3  }
0x1af: {  	v4 =	vand.u32 $0x7F, v4;
	v5 =	vand.u32 $0xFFFFFC00, v5  }
0x1b0: {  	v4 =	vor.u32 v4, v5  }
0x1b1: {  	v4 =	vadd.s32 v1, v4;
	_ =	sdelay $0x4  }
0x1b2: {  	[tilespmem:v4+s22+$0x0] =	vst.idx.msk $0xffff, v2  }
0x1b3: {  	v5 =	vld [tilespmem:$0x190];
	_ =	sdelay $0x4  }
0x1b4: {  	v58 =	vshll.u32 v5, $0x3  }
0x1b5: {  	v5 =	vand.u32 $0x7F, v5;
	v10 =	vand.u32 $0xFFFFFC00, v58  }
0x1b6: {  	v5 =	vor.u32 v5, v10  }
0x1b7: {  	v5 =	vadd.s32 v3, v5;
	_ =	sdelay $0x4  }
0x1b8: {  	[tilespmem:v5+s22+$0x0] =	vst.idx.msk $0xffff, v2  }
0x1b9: {  	[hbm4b:s16+s2] =	stream.linear.scatter [tilespmem:s22], [sflag:$0x1], $0x8000, $0x38;
	[tilespmem:$0x18200] =	vst v63  }
0x1ba: {  	_ =	swait.ge [sflag:s26], $0x8000  }
0x1bb: {  	[sflag:s26] =	ssyncset.done $0x0  }
0x1bc: {  	[sflag:s26] =	ssyncadd.s32 $0xFFFF8000  }
0x1bd: {  	[tilespmem:v6+s23+$0x0] =	vst.idx.msk $0xffff, v0  }
0x1be: {  	[tilespmem:v7+s23+$0x0] =	vst.idx.msk $0xffff, v0  }
0x1bf: {  	v6 =	vld [tilespmem:$0x1A0];
	_ =	sdelay $0x4  }
0x1c0: {  	v59 =	vshll.u32 v6, $0x3  }
0x1c1: {  	v6 =	vand.u32 $0x7F, v6;
	v7 =	vand.u32 $0xFFFFFC00, v59  }
0x1c2: {  	v6 =	vor.u32 v6, v7  }
0x1c3: {  	v6 =	vadd.s32 v1, v6;
	_ =	sdelay $0x4  }
0x1c4: {  	[tilespmem:v6+s23+$0x0] =	vst.idx.msk $0xffff, v2  }
0x1c5: {  	v6 =	vld [tilespmem:$0x1B0];
	_ =	sdelay $0x4  }
0x1c6: {  	v60 =	vshll.u32 v6, $0x3  }
0x1c7: {  	v6 =	vand.u32 $0x7F, v6;
	v7 =	vand.u32 $0xFFFFFC00, v60  }
0x1c8: {  	v6 =	vor.u32 v6, v7  }
0x1c9: {  	v6 =	vadd.s32 v3, v6;
	_ =	sdelay $0x4  }
0x1ca: {  	[tilespmem:v6+s23+$0x0] =	vst.idx.msk $0xffff, v2  }
0x1cb: {  	[hbm4b:s17+s2] =	stream.linear.scatter [tilespmem:s23], [sflag:$0x2], $0x8000, $0x38;
	[tilespmem:$0x18200] =	vst v63  }
0x1cc: {  	_ =	swait.ge [sflag:s28], $0x8000  }
0x1cd: {  	[sflag:s28] =	ssyncset.done $0x0  }
0x1ce: {  	[sflag:s28] =	ssyncadd.s32 $0xFFFF8000  }
0x1cf: {  	[tilespmem:v8+s24+$0x0] =	vst.idx.msk $0xffff, v0  }
0x1d0: {  	[tilespmem:v9+s24+$0x0] =	vst.idx.msk $0xffff, v0  }
0x1d1: {  	v61 =	vld [tilespmem:$0x1C0];
	_ =	sdelay $0x4  }
0x1d2: {  	v62 =	vshll.u32 v61, $0x3  }
0x1d3: {  	v6 =	vand.u32 $0x7F, v61;
	v7 =	vand.u32 $0xFFFFFC00, v62  }
0x1d4: {  	v6 =	vor.u32 v6, v7  }
0x1d5: {  	v6 =	vadd.s32 v1, v6;
	_ =	sdelay $0x4  }
0x1d6: {  	[tilespmem:v6+s24+$0x0] =	vst.idx.msk $0xffff, v2  }
0x1d7: {  	v6 =	vld [tilespmem:$0x1D0];
	_ =	sdelay $0x4  }
0x1d8: {  	v63 =	vshll.u32 v6, $0x3  }
0x1d9: {  	v6 =	vand.u32 $0x7F, v6;
	v7 =	vand.u32 $0xFFFFFC00, v63  }
0x1da: {  	v6 =	vor.u32 v6, v7  }
0x1db: {  	v6 =	vadd.s32 v3, v6;
	_ =	sdelay $0x4  }
0x1dc: {  	[tilespmem:v6+s24+$0x0] =	vst.idx.msk $0xffff, v2  }
0x1dd: {  	[hbm4b:s18+s2] =	stream.linear.scatter [tilespmem:s24], [sflag:$0x3], $0x8000, $0x38;
	[tilespmem:$0x18200] =	vst v63  }
0x1de: {  	_ =	swait.ge [sflag:s25], $0x8000  }
0x1df: {  	[sflag:s25] =	ssyncset.done $0x0  }
0x1e0: {  	[sflag:s25] =	ssyncadd.s32 $0xFFFF8000  }
0x1e1: {  	[tilespmem:v4+s22+$0x0] =	vst.idx.msk $0xffff, v0  }
0x1e2: {  	[tilespmem:v5+s22+$0x0] =	vst.idx.msk $0xffff, v0  }
0x1e3: {  	v4 =	vld [tilespmem:$0x1E0];
	_ =	sdelay $0x4  }
0x1e4: {  	v5 =	vshll.u32 v4, $0x3  }
0x1e5: {  	v4 =	vand.u32 $0x7F, v4;
	v5 =	vand.u32 $0xFFFFFC00, v5  }
0x1e6: {  	v4 =	vor.u32 v4, v5  }
0x1e7: {  	v4 =	vadd.s32 v1, v4;
	_ =	sdelay $0x4  }
0x1e8: {  	[tilespmem:v4+s22+$0x0] =	vst.idx.msk $0xffff, v2  }
0x1e9: {  	v4 =	vld [tilespmem:$0x1F0];
	_ =	sdelay $0x4  }
0x1ea: {  	v5 =	vshll.u32 v4, $0x3  }
0x1eb: {  	v4 =	vand.u32 $0x7F, v4;
	v5 =	vand.u32 $0xFFFFFC00, v5  }
0x1ec: {  	v4 =	vor.u32 v4, v5  }
0x1ed: {  	v4 =	vadd.s32 v3, v4;
	_ =	sdelay $0x4  }
0x1ee: {  	[tilespmem:v4+s22+$0x0] =	vst.idx.msk $0xffff, v2  }
0x1ef: {  	[hbm4b:s19+s2] =	stream.linear.scatter [tilespmem:s22], [sflag:$0x1], $0x8000, $0x38;
	[tilespmem:$0x18200] =	vst v63  }
0x1f0: {  	_ =	swait.ge [sflag:s25], $0x8000  }
0x1f1: {  	[sflag:s25] =	ssyncset.done $0x0  }
0x1f2: {  	s29 =	sadd.s32 $0x1, s29;
	[sflag:s25] =	ssyncadd.s32 $0xFFFF8000  }
0x1f3: {  	p0 =	sne.s32 s29, s20;
	_ =	swait.ge [sflag:s26], $0x8000  }
.Ltmp3:
0x1f4: {  	[sflag:s26] =	ssyncset.done $0x0;
	(pc) =	sbr.rel @p0 .LBB2_1-.Ltmp3, $4  }
0x1f5: {  	[sflag:s26] =	ssyncadd.s32 $0xFFFF8000  }
0x1f6: {  	_ =	swait.ge [sflag:s28], $0x8000  }
0x1f7: {  	[sflag:s28] =	ssyncset.done $0x0  }
0x1f8: {  	[sflag:s28] =	ssyncadd.s32 $0xFFFF8000  }
0x1f9: {  	_ =	sfence.sel $0x180000  }
0x1fa: {  	[bflag:$0x0] =	sbarrier.arrive $0xFFFF  }
0x1fb: {  	_ =	strace $0x90000047  }
0x1fc: {  	s0 =	stileid.u32;
	[bflag:$0x2] =	sbarrier.arrive $0xFFFF  }
0x1fd: {  	p0 =	sne.s32 s0, $0x0;
	s0 =	rddreg [dreg:$0x2]  }
0x1fe: {  	s0 =	sadd.s32 @!p0 $0x100000, s0  }
0x1ff: {  	[sflag:s0] =	ssyncadd.tile.s32 @!p0 $0x1;
	_ =	shalt  }
.Lfunc_end2:
_tile_overlayer_lowered:
.L_overlay_start_2:
0x200: {  	(tag) =	ssettag $0x2  }
0x201: {  	s0 =	rddreg [dreg:$0x0];
	s2 =	stileid.u32  }
0x202: {  	s1 =	rddreg [dreg:$0x1];
	p0 =	sne.s32 s2, $0x0  }
0x203: {  	s3 =	rddreg [dreg:$0x2];
	[bflag:$0x3] =	sbarrier.arrive $0xFFFF;
	s2 =	simm.s32 @!p0 $0x1C04  }
0x204: {  	[timem:s3], [sflag:s2] =	dma.local @!p0 [hbm:s0], s1  }
0x205: {  	s0 =	simm.s32 @!p0 $0x4  }
0x206: {  	_ =	swait.ge @!p0 [sflag:s0], s1  }
0x207: {  	s1 =	ssub.s32 @!p0 $0x0, s1;
	[sflag:s0] =	ssyncset.done @!p0 $0x0  }
0x208: {  	[sflag:s0] =	ssyncadd.s32 @!p0 s1  }
0x209: {  	[bflag:$0x3] =	sbarrier.arrive $0xFFFF  }
0x20a: {  	_ =	shalt  }

</sc_bundles>
